<compile_context>
chip_gen: v7x
topology: tpu7x:2x2x1
jax: 0.10.2.dev20260603
libtpu: 0.0.44.dev20260713+nightly
codegen_flags: <defaults>
</compile_context>

<pallas_src>
import functools

import jax
import jax.numpy as jnp
from jax import lax
from jax.experimental import pallas as pl
from jax.experimental.pallas import tpu as pltpu
from jax.experimental.pallas import tpu_sc as plsc

_VOCAB = 100000
_L = 200
_D = 128
_B = 1024
_N = _B * _L
_NW = 32
_RPW = _N // _NW
_CH = 128
_NCH = _RPW // _CH
_EPS = 1e-12
_INV_D = 1.0 / _D


def _rsqrt(v):
    i = lax.bitcast_convert_type(v, jnp.int32)
    i = jnp.int32(0x5F3759DF) - (i >> 1)
    y = lax.bitcast_convert_type(i, jnp.float32)
    for _ in range(3):
        y = y * (1.5 - 0.5 * v * y * y)
    return y


def _body(idx_hbm, wt_hbm, pt_hbm, g_hbm, b_hbm, out_hbm,
          idx_buf, pos_v, g_v, b_v, rows_v, gsem):
    wid = lax.axis_index("s") * 2 + lax.axis_index("c")
    base = wid * _RPW

    pltpu.sync_copy(pt_hbm, pos_v)
    pltpu.sync_copy(g_hbm, g_v)
    pltpu.sync_copy(b_hbm, b_v)

    iota = lax.iota(jnp.int32, 16)
    perms = [iota ^ sh for sh in (8, 4, 2, 1)]
    _dnums = lax.GatherDimensionNumbers(
        offset_dims=(), collapsed_slice_dims=(0,), start_index_map=(0,))

    def _lane_perm(x, p):
        return lax.gather(x, p[:, None], _dnums, slice_sizes=(1,),
                          mode=lax.GatherScatterMode.PROMISE_IN_BOUNDS)

    def vsum(x):
        for p in perms:
            x = x + _lane_perm(x, p)
        return x

    def chunk_body(k, carry):
        pltpu.sync_copy(idx_hbm.at[wid, k], idx_buf)
        pltpu.async_copy(wt_hbm.at[idx_buf], rows_v, gsem).wait()
        pos_start = (k * _CH) % _L

        def row_body(r, c):
            pos_row = (pos_start + r) % _L
            xs = []
            for j in range(8):
                sl = pl.ds(j * 16, 16)
                xs.append(rows_v[r, sl] + pos_v[pos_row, sl])
            acc = xs[0]
            acc2 = xs[0] * xs[0]
            for j in range(1, 8):
                acc = acc + xs[j]
                acc2 = acc2 + xs[j] * xs[j]
            mean = vsum(acc) * _INV_D
            var = vsum(acc2) * _INV_D - mean * mean
            a = _rsqrt(var + _EPS)
            nb = -mean * a
            for j in range(8):
                sl = pl.ds(j * 16, 16)
                rows_v[r, sl] = (xs[j] * a + nb) * g_v[sl] + b_v[sl]
            return c

        lax.fori_loop(0, _CH, row_body, 0)
        pltpu.sync_copy(rows_v, out_hbm.at[pl.ds(base + k * _CH, _CH)])
        return carry

    lax.fori_loop(0, _NCH, chunk_body, 0)


_sc_call = None


def _get_sc_call():
    global _sc_call
    if _sc_call is None:
        mesh = plsc.VectorSubcoreMesh(core_axis_name="c", subcore_axis_name="s")
        _sc_call = functools.partial(
            pl.kernel, mesh=mesh,
            out_type=jax.ShapeDtypeStruct((_N, _D), jnp.float32),
            scratch_types=[
                pltpu.VMEM((_CH,), jnp.int32),
                pltpu.VMEM((_L, _D), jnp.float32),
                pltpu.VMEM((_D,), jnp.float32),
                pltpu.VMEM((_D,), jnp.float32),
                pltpu.VMEM((_CH, _D), jnp.float32),
                pltpu.SemaphoreType.DMA,
            ],
        )(_body)
    return _sc_call


def kernel(input, word_table, pos_table, gamma, beta):
    idx = input.astype(jnp.int32).reshape(_NW, _NCH, _CH)
    out = _get_sc_call()(idx, word_table, pos_table, gamma, beta)
    return out.reshape(_B, _L, _D)

# --- scband reference (transcript-rebuilt; emitter-appended) ---
"""Pipeline reference for scband-bertembedding-39307540693684 (READ-ONLY COPY).

The authoritative reference and input builder live on the scoring server;
editing this copy changes nothing except your own understanding.
"""

import jax, jax.numpy as jnp
import numpy as np

VOCAB_SIZE = 100000
SEQ_LEN = 200
EMB_DIM = 128
NORM_EPS = 1e-12
BATCH = 1024


def setup_inputs(seed: int = 0) -> dict:
    key = jax.random.key(seed)
    k1, k2, k3 = jax.random.split(key, 3)
    input_ids = jax.random.randint(k1, (BATCH, SEQ_LEN), 0, VOCAB_SIZE, dtype=jnp.int64 if jax.config.jax_enable_x64 else jnp.int32)
    word_table = jax.random.normal(k2, (VOCAB_SIZE, EMB_DIM), dtype=jnp.float32) * 0.02
    pos_table = jax.random.normal(k3, (SEQ_LEN, EMB_DIM), dtype=jnp.float32) * 0.02
    gamma = jnp.ones((EMB_DIM,), dtype=jnp.float32)
    beta = jnp.zeros((EMB_DIM,), dtype=jnp.float32)
    return {"input": input_ids, "word_table": word_table, "pos_table": pos_table, "gamma": gamma, "beta": beta}


def _layer_norm(x, gamma, beta, eps):
    mean = jnp.mean(x, axis=-1, keepdims=True)
    var = jnp.mean(jnp.square(x - mean), axis=-1, keepdims=True)
    x_hat = (x - mean) / jnp.sqrt(var + eps)
    return x_hat * gamma + beta


def reference(input, word_table, pos_table, gamma, beta):
    batch_size, seq_len = input.shape
    position = jnp.arange(seq_len)  # broadcast over batch
    word_emb = jnp.take(word_table, input, axis=0)            # [B, L, D] gather
    pos_emb = jnp.take(pos_table, position, axis=0)[None, :, :]  # [1, L, D]
    emb = word_emb + pos_emb
    emb = _layer_norm(emb, gamma, beta, NORM_EPS)
    # dropout is identity in eval/inference mode
    return emb

if __name__ == "__main__":
    import jax
    _d = setup_inputs()
    print(jax.jit(kernel)(*tuple(_d.values())))

</pallas_src>

<mosaic_0001>
#map = affine_map<(d0, d1) -> (0, 0, 0)>
#map1 = affine_map<(d0, d1) -> (0, 0)>
#map2 = affine_map<(d0, d1) -> (0)>
module attributes {stable_mosaic.version = 14 : i64} {
  func.func @_body(%arg0: i32, %arg1: i32, %arg2: memref<32x50x128xi32, #tpu.memory_space<hbm>>, %arg3: memref<100000x128xf32, #tpu.memory_space<hbm>>, %arg4: memref<200x128xf32, #tpu.memory_space<hbm>>, %arg5: memref<128xf32, #tpu.memory_space<hbm>>, %arg6: memref<128xf32, #tpu.memory_space<hbm>>, %arg7: memref<204800x128xf32, #tpu.memory_space<hbm>>, %arg8: memref<128xi32, #tpu.memory_space<vmem>>, %arg9: memref<200x128xf32, #tpu.memory_space<vmem>>, %arg10: memref<128xf32, #tpu.memory_space<vmem>>, %arg11: memref<128xf32, #tpu.memory_space<vmem>>, %arg12: memref<128x128xf32, #tpu.memory_space<vmem>>, %arg13: memref<!tpu.dma_semaphore, #tpu.memory_space<semaphore_mem>>) attributes {dimension_semantics = [#tpu.dimension_semantics<core_parallel>, #tpu.dimension_semantics<subcore_parallel>], iteration_bounds = array<i64: 2, 16>, scalar_prefetch = 0 : i64, scratch_operands = 6 : i64, tpu.core_type = #tpu.core_type<sc_vector_subcore>, window_params = [{transform_indices = #map}, {transform_indices = #map1}, {transform_indices = #map1}, {transform_indices = #map2}, {transform_indices = #map2}, {transform_indices = #map1}]} {
    %mul3A = arith.constant 2 : i32
    %mul3A_0 = arith.muli %arg1, %mul3A : i32
    %add3A = arith.addi %mul3A_0, %arg0 : i32
    %mul3A_1 = arith.constant 6400 : i32
    %mul3A_2 = arith.muli %add3A, %mul3A_1 : i32
    "tpu.region"() ({
      %run_scoped3A = tpu.sem_alloc : memref<!tpu.dma_semaphore, #tpu.memory_space<semaphore_mem>>
      tpu.enqueue_dma source(%arg4 : memref<200x128xf32, #tpu.memory_space<hbm>>) target(%arg9 : memref<200x128xf32, #tpu.memory_space<vmem>>) target_semaphore(%run_scoped3A : memref<!tpu.dma_semaphore, #tpu.memory_space<semaphore_mem>>)
      tpu.wait_dma2 semaphore(%run_scoped3A : memref<!tpu.dma_semaphore, #tpu.memory_space<semaphore_mem>>) src(%arg4 : memref<200x128xf32, #tpu.memory_space<hbm>>) dst(%arg9 : memref<200x128xf32, #tpu.memory_space<vmem>>)
      tpu.yield
    }) : () -> ()
    "tpu.region"() ({
      %run_scoped3A = tpu.sem_alloc : memref<!tpu.dma_semaphore, #tpu.memory_space<semaphore_mem>>
      tpu.enqueue_dma source(%arg5 : memref<128xf32, #tpu.memory_space<hbm>>) target(%arg10 : memref<128xf32, #tpu.memory_space<vmem>>) target_semaphore(%run_scoped3A : memref<!tpu.dma_semaphore, #tpu.memory_space<semaphore_mem>>)
      tpu.wait_dma2 semaphore(%run_scoped3A : memref<!tpu.dma_semaphore, #tpu.memory_space<semaphore_mem>>) src(%arg5 : memref<128xf32, #tpu.memory_space<hbm>>) dst(%arg10 : memref<128xf32, #tpu.memory_space<vmem>>)
      tpu.yield
    }) : () -> ()
    "tpu.region"() ({
      %run_scoped3A = tpu.sem_alloc : memref<!tpu.dma_semaphore, #tpu.memory_space<semaphore_mem>>
      tpu.enqueue_dma source(%arg6 : memref<128xf32, #tpu.memory_space<hbm>>) target(%arg11 : memref<128xf32, #tpu.memory_space<vmem>>) target_semaphore(%run_scoped3A : memref<!tpu.dma_semaphore, #tpu.memory_space<semaphore_mem>>)
      tpu.wait_dma2 semaphore(%run_scoped3A : memref<!tpu.dma_semaphore, #tpu.memory_space<semaphore_mem>>) src(%arg6 : memref<128xf32, #tpu.memory_space<hbm>>) dst(%arg11 : memref<128xf32, #tpu.memory_space<vmem>>)
      tpu.yield
    }) : () -> ()
    %iota3A = tpu.iota {dimensions = array<i32: 0>} : vector<16xi32>
    %xor3A = arith.constant 8 : i32
    %xor3A_3 = vector.broadcast %xor3A : i32 to vector<16xi32>
    %xor3A_4 = arith.xori %iota3A, %xor3A_3 : vector<16xi32>
    %xor3A_5 = arith.constant 4 : i32
    %xor3A_6 = vector.broadcast %xor3A_5 : i32 to vector<16xi32>
    %xor3A_7 = arith.xori %iota3A, %xor3A_6 : vector<16xi32>
    %xor3A_8 = arith.constant 2 : i32
    %xor3A_9 = vector.broadcast %xor3A_8 : i32 to vector<16xi32>
    %xor3A_10 = arith.xori %iota3A, %xor3A_9 : vector<16xi32>
    %xor3A_11 = arith.constant 1 : i32
    %xor3A_12 = vector.broadcast %xor3A_11 : i32 to vector<16xi32>
    %xor3A_13 = arith.xori %iota3A, %xor3A_12 : vector<16xi32>
    %scan3A = arith.constant 0 : i32
    %scan3A_14 = arith.constant 0 : i32
    %scan3A_15 = arith.constant 50 : i32
    %scan3A_16 = arith.addi %scan3A_14, %scan3A_15 : i32
    %scan3A_17 = arith.constant 1 : i32
    scf.for %scan3A_19 = %scan3A_14 to %scan3A_16 step %scan3A_17  : i32 {
      "tpu.region"() ({
        %run_scoped3A = tpu.sem_alloc : memref<!tpu.dma_semaphore, #tpu.memory_space<semaphore_mem>>
        %dma_start3A_44 = arith.constant 0 : i32
        %dma_start3A_45 = tpu.memref_slice %arg2[%add3A, %scan3A_19, %dma_start3A_44] : memref<32x50x128xi32, #tpu.memory_space<hbm>> -> memref<1x1x128xi32, #tpu.memory_space<hbm>>
        %dma_start3A_46 = tpu.memref_squeeze %dma_start3A_45 : memref<1x1x128xi32, #tpu.memory_space<hbm>> -> memref<128xi32, #tpu.memory_space<hbm>>
        %dma_start3A_47 = arith.constant 0 : i32
        %dma_start3A_48 = tpu.memref_slice %arg2[%add3A, %scan3A_19, %dma_start3A_47] : memref<32x50x128xi32, #tpu.memory_space<hbm>> -> memref<1x1x128xi32, #tpu.memory_space<hbm>>
        %dma_start3A_49 = tpu.memref_squeeze %dma_start3A_48 : memref<1x1x128xi32, #tpu.memory_space<hbm>> -> memref<128xi32, #tpu.memory_space<hbm>>
        tpu.enqueue_dma source(%dma_start3A_49 : memref<128xi32, #tpu.memory_space<hbm>>) target(%arg8 : memref<128xi32, #tpu.memory_space<vmem>>) target_semaphore(%run_scoped3A : memref<!tpu.dma_semaphore, #tpu.memory_space<semaphore_mem>>)
        %dma_wait3A_50 = arith.constant 0 : i32
        %dma_wait3A_51 = tpu.memref_slice %arg2[%add3A, %scan3A_19, %dma_wait3A_50] : memref<32x50x128xi32, #tpu.memory_space<hbm>> -> memref<1x1x128xi32, #tpu.memory_space<hbm>>
        %dma_wait3A_52 = tpu.memref_squeeze %dma_wait3A_51 : memref<1x1x128xi32, #tpu.memory_space<hbm>> -> memref<128xi32, #tpu.memory_space<hbm>>
        %dma_wait3A_53 = arith.constant 0 : i32
        %dma_wait3A_54 = tpu.memref_slice %arg2[%add3A, %scan3A_19, %dma_wait3A_53] : memref<32x50x128xi32, #tpu.memory_space<hbm>> -> memref<1x1x128xi32, #tpu.memory_space<hbm>>
        %dma_wait3A_55 = tpu.memref_squeeze %dma_wait3A_54 : memref<1x1x128xi32, #tpu.memory_space<hbm>> -> memref<128xi32, #tpu.memory_space<hbm>>
        tpu.wait_dma2 semaphore(%run_scoped3A : memref<!tpu.dma_semaphore, #tpu.memory_space<semaphore_mem>>) src(%dma_wait3A_55 : memref<128xi32, #tpu.memory_space<hbm>>) dst(%arg8 : memref<128xi32, #tpu.memory_space<vmem>>)
        tpu.yield
      }) : () -> ()
      %dma_start3A = arith.constant 0 : i32
      %dma_start3A_20 = arith.constant 0 : i32
      %dma_start3A_21 = tpu.memref_slice %arg3[%dma_start3A, %dma_start3A_20] : memref<100000x128xf32, #tpu.memory_space<hbm>> -> memref<100000x128xf32, #tpu.memory_space<hbm>>
      tpu.enqueue_indirect_dma source(%dma_start3A_21 : memref<100000x128xf32, #tpu.memory_space<hbm>>) target(%arg12 : memref<128x128xf32, #tpu.memory_space<vmem>>) offsets(%arg8 : memref<128xi32, #tpu.memory_space<vmem>>) semaphore(%arg13 : memref<!tpu.dma_semaphore, #tpu.memory_space<semaphore_mem>>)
      %dma_wait3A = arith.constant 0 : i32
      %dma_wait3A_22 = arith.constant 0 : i32
      %dma_wait3A_23 = tpu.memref_slice %arg3[%dma_wait3A, %dma_wait3A_22] : memref<100000x128xf32, #tpu.memory_space<hbm>> -> memref<100000x128xf32, #tpu.memory_space<hbm>>
      tpu.wait_indirect_dma semaphore(%arg13 : memref<!tpu.dma_semaphore, #tpu.memory_space<semaphore_mem>>) src(%dma_wait3A_23 : memref<100000x128xf32, #tpu.memory_space<hbm>>) dst(%arg12 : memref<128x128xf32, #tpu.memory_space<vmem>>)
      %mul3A_24 = arith.constant 128 : i32
      %mul3A_25 = arith.muli %scan3A_19, %mul3A_24 : i32
      %jit3A = arith.constant 200 : i32
      %eq3A = arith.constant 0 : i32
      %eq3A_26 = arith.cmpi eq, %jit3A, %eq3A : i32
      %jit3A_27 = arith.constant 1 : i32
      %select_n3A = arith.select %eq3A_26, %jit3A_27, %jit3A : i32
      %rem3A = arith.remsi %mul3A_25, %select_n3A : i32
      %ne3A = arith.constant 0 : i32
      %ne3A_28 = arith.cmpi ne, %rem3A, %ne3A : i32
      %lt3A = arith.constant 0 : i32
      %lt3A_29 = arith.cmpi slt, %rem3A, %lt3A : i32
      %lt3A_30 = arith.constant 0 : i32
      %lt3A_31 = arith.cmpi slt, %select_n3A, %lt3A_30 : i32
      %ne3A_32 = arith.xori %lt3A_29, %lt3A_31 : i1
      %and3A = arith.andi %ne3A_32, %ne3A_28 : i1
      %add3A_33 = arith.addi %rem3A, %select_n3A : i32
      %select_n3A_34 = arith.select %and3A, %add3A_33, %rem3A : i32
      %scan3A_35 = arith.constant 0 : i32
      %scan3A_36 = arith.constant 0 : i32
      %scan3A_37 = arith.constant 128 : i32
      %scan3A_38 = arith.addi %scan3A_36, %scan3A_37 : i32
      %scan3A_39 = arith.constant 1 : i32
      scf.for %scan3A_44 = %scan3A_36 to %scan3A_38 step %scan3A_39  : i32 {
        %add3A_45 = arith.addi %select_n3A_34, %scan3A_44 : i32
        %jit3A_46 = arith.constant 200 : i32
        %eq3A_47 = arith.constant 0 : i32
        %eq3A_48 = arith.cmpi eq, %jit3A_46, %eq3A_47 : i32
        %jit3A_49 = arith.constant 1 : i32
        %select_n3A_50 = arith.select %eq3A_48, %jit3A_49, %jit3A_46 : i32
        %rem3A_51 = arith.remsi %add3A_45, %select_n3A_50 : i32
        %ne3A_52 = arith.constant 0 : i32
        %ne3A_53 = arith.cmpi ne, %rem3A_51, %ne3A_52 : i32
        %lt3A_54 = arith.constant 0 : i32
        %lt3A_55 = arith.cmpi slt, %rem3A_51, %lt3A_54 : i32
        %lt3A_56 = arith.constant 0 : i32
        %lt3A_57 = arith.cmpi slt, %select_n3A_50, %lt3A_56 : i32
        %ne3A_58 = arith.xori %lt3A_55, %lt3A_57 : i1
        %and3A_59 = arith.andi %ne3A_58, %ne3A_53 : i1
        %add3A_60 = arith.addi %rem3A_51, %select_n3A_50 : i32
        %select_n3A_61 = arith.select %and3A_59, %add3A_60, %rem3A_51 : i32
        %get3A = arith.index_cast %scan3A_44 : i32 to index
        %get3A_62 = arith.constant 0 : index
        %get3A_63 = tpu.vector_load %arg12[%get3A, %get3A_62] {strides = array<i32>} : memref<128x128xf32, #tpu.memory_space<vmem>>, vector<1x16xf32>,
        %get3A_64 = vector.shape_cast %get3A_63 : vector<1x16xf32> to vector<16xf32>
        %get3A_65 = arith.index_cast %select_n3A_61 : i32 to index
        %get3A_66 = arith.constant 0 : index
        %get3A_67 = tpu.vector_load %arg9[%get3A_65, %get3A_66] {strides = array<i32>} : memref<200x128xf32, #tpu.memory_space<vmem>>, vector<1x16xf32>,
        %get3A_68 = vector.shape_cast %get3A_67 : vector<1x16xf32> to vector<16xf32>
        %add3A_69 = arith.addf %get3A_64, %get3A_68 : vector<16xf32>
        %get3A_70 = arith.index_cast %scan3A_44 : i32 to index
        %get3A_71 = arith.constant 16 : index
        %get3A_72 = tpu.vector_load %arg12[%get3A_70, %get3A_71] {strides = array<i32>} : memref<128x128xf32, #tpu.memory_space<vmem>>, vector<1x16xf32>,
        %get3A_73 = vector.shape_cast %get3A_72 : vector<1x16xf32> to vector<16xf32>
        %get3A_74 = arith.index_cast %select_n3A_61 : i32 to index
        %get3A_75 = arith.constant 16 : index
        %get3A_76 = tpu.vector_load %arg9[%get3A_74, %get3A_75] {strides = array<i32>} : memref<200x128xf32, #tpu.memory_space<vmem>>, vector<1x16xf32>,
        %get3A_77 = vector.shape_cast %get3A_76 : vector<1x16xf32> to vector<16xf32>
        %add3A_78 = arith.addf %get3A_73, %get3A_77 : vector<16xf32>
        %get3A_79 = arith.index_cast %scan3A_44 : i32 to index
        %get3A_80 = arith.constant 32 : index
        %get3A_81 = tpu.vector_load %arg12[%get3A_79, %get3A_80] {strides = array<i32>} : memref<128x128xf32, #tpu.memory_space<vmem>>, vector<1x16xf32>,
        %get3A_82 = vector.shape_cast %get3A_81 : vector<1x16xf32> to vector<16xf32>
        %get3A_83 = arith.index_cast %select_n3A_61 : i32 to index
        %get3A_84 = arith.constant 32 : index
        %get3A_85 = tpu.vector_load %arg9[%get3A_83, %get3A_84] {strides = array<i32>} : memref<200x128xf32, #tpu.memory_space<vmem>>, vector<1x16xf32>,
        %get3A_86 = vector.shape_cast %get3A_85 : vector<1x16xf32> to vector<16xf32>
        %add3A_87 = arith.addf %get3A_82, %get3A_86 : vector<16xf32>
        %get3A_88 = arith.index_cast %scan3A_44 : i32 to index
        %get3A_89 = arith.constant 48 : index
        %get3A_90 = tpu.vector_load %arg12[%get3A_88, %get3A_89] {strides = array<i32>} : memref<128x128xf32, #tpu.memory_space<vmem>>, vector<1x16xf32>,
        %get3A_91 = vector.shape_cast %get3A_90 : vector<1x16xf32> to vector<16xf32>
        %get3A_92 = arith.index_cast %select_n3A_61 : i32 to index
        %get3A_93 = arith.constant 48 : index
        %get3A_94 = tpu.vector_load %arg9[%get3A_92, %get3A_93] {strides = array<i32>} : memref<200x128xf32, #tpu.memory_space<vmem>>, vector<1x16xf32>,
        %get3A_95 = vector.shape_cast %get3A_94 : vector<1x16xf32> to vector<16xf32>
        %add3A_96 = arith.addf %get3A_91, %get3A_95 : vector<16xf32>
        %get3A_97 = arith.index_cast %scan3A_44 : i32 to index
        %get3A_98 = arith.constant 64 : index
        %get3A_99 = tpu.vector_load %arg12[%get3A_97, %get3A_98] {strides = array<i32>} : memref<128x128xf32, #tpu.memory_space<vmem>>, vector<1x16xf32>,
        %get3A_100 = vector.shape_cast %get3A_99 : vector<1x16xf32> to vector<16xf32>
        %get3A_101 = arith.index_cast %select_n3A_61 : i32 to index
        %get3A_102 = arith.constant 64 : index
        %get3A_103 = tpu.vector_load %arg9[%get3A_101, %get3A_102] {strides = array<i32>} : memref<200x128xf32, #tpu.memory_space<vmem>>, vector<1x16xf32>,
        %get3A_104 = vector.shape_cast %get3A_103 : vector<1x16xf32> to vector<16xf32>
        %add3A_105 = arith.addf %get3A_100, %get3A_104 : vector<16xf32>
        %get3A_106 = arith.index_cast %scan3A_44 : i32 to index
        %get3A_107 = arith.constant 80 : index
        %get3A_108 = tpu.vector_load %arg12[%get3A_106, %get3A_107] {strides = array<i32>} : memref<128x128xf32, #tpu.memory_space<vmem>>, vector<1x16xf32>,
        %get3A_109 = vector.shape_cast %get3A_108 : vector<1x16xf32> to vector<16xf32>
        %get3A_110 = arith.index_cast %select_n3A_61 : i32 to index
        %get3A_111 = arith.constant 80 : index
        %get3A_112 = tpu.vector_load %arg9[%get3A_110, %get3A_111] {strides = array<i32>} : memref<200x128xf32, #tpu.memory_space<vmem>>, vector<1x16xf32>,
        %get3A_113 = vector.shape_cast %get3A_112 : vector<1x16xf32> to vector<16xf32>
        %add3A_114 = arith.addf %get3A_109, %get3A_113 : vector<16xf32>
        %get3A_115 = arith.index_cast %scan3A_44 : i32 to index
        %get3A_116 = arith.constant 96 : index
        %get3A_117 = tpu.vector_load %arg12[%get3A_115, %get3A_116] {strides = array<i32>} : memref<128x128xf32, #tpu.memory_space<vmem>>, vector<1x16xf32>,
        %get3A_118 = vector.shape_cast %get3A_117 : vector<1x16xf32> to vector<16xf32>
        %get3A_119 = arith.index_cast %select_n3A_61 : i32 to index
        %get3A_120 = arith.constant 96 : index
        %get3A_121 = tpu.vector_load %arg9[%get3A_119, %get3A_120] {strides = array<i32>} : memref<200x128xf32, #tpu.memory_space<vmem>>, vector<1x16xf32>,
        %get3A_122 = vector.shape_cast %get3A_121 : vector<1x16xf32> to vector<16xf32>
        %add3A_123 = arith.addf %get3A_118, %get3A_122 : vector<16xf32>
        %get3A_124 = arith.index_cast %scan3A_44 : i32 to index
        %get3A_125 = arith.constant 112 : index
        %get3A_126 = tpu.vector_load %arg12[%get3A_124, %get3A_125] {strides = array<i32>} : memref<128x128xf32, #tpu.memory_space<vmem>>, vector<1x16xf32>,
        %get3A_127 = vector.shape_cast %get3A_126 : vector<1x16xf32> to vector<16xf32>
        %get3A_128 = arith.index_cast %select_n3A_61 : i32 to index
        %get3A_129 = arith.constant 112 : index
        %get3A_130 = tpu.vector_load %arg9[%get3A_128, %get3A_129] {strides = array<i32>} : memref<200x128xf32, #tpu.memory_space<vmem>>, vector<1x16xf32>,
        %get3A_131 = vector.shape_cast %get3A_130 : vector<1x16xf32> to vector<16xf32>
        %add3A_132 = arith.addf %get3A_127, %get3A_131 : vector<16xf32>
        %mul3A_133 = arith.mulf %add3A_69, %add3A_69 : vector<16xf32>
        %add3A_134 = arith.addf %add3A_69, %add3A_78 : vector<16xf32>
        %mul3A_135 = arith.mulf %add3A_78, %add3A_78 : vector<16xf32>
        %add3A_136 = arith.addf %mul3A_133, %mul3A_135 : vector<16xf32>
        %add3A_137 = arith.addf %add3A_134, %add3A_87 : vector<16xf32>
        %mul3A_138 = arith.mulf %add3A_87, %add3A_87 : vector<16xf32>
        %add3A_139 = arith.addf %add3A_136, %mul3A_138 : vector<16xf32>
        %add3A_140 = arith.addf %add3A_137, %add3A_96 : vector<16xf32>
        %mul3A_141 = arith.mulf %add3A_96, %add3A_96 : vector<16xf32>
        %add3A_142 = arith.addf %add3A_139, %mul3A_141 : vector<16xf32>
        %add3A_143 = arith.addf %add3A_140, %add3A_105 : vector<16xf32>
        %mul3A_144 = arith.mulf %add3A_105, %add3A_105 : vector<16xf32>
        %add3A_145 = arith.addf %add3A_142, %mul3A_144 : vector<16xf32>
        %add3A_146 = arith.addf %add3A_143, %add3A_114 : vector<16xf32>
        %mul3A_147 = arith.mulf %add3A_114, %add3A_114 : vector<16xf32>
        %add3A_148 = arith.addf %add3A_145, %mul3A_147 : vector<16xf32>
        %add3A_149 = arith.addf %add3A_146, %add3A_123 : vector<16xf32>
        %mul3A_150 = arith.mulf %add3A_123, %add3A_123 : vector<16xf32>
        %add3A_151 = arith.addf %add3A_148, %mul3A_150 : vector<16xf32>
        %add3A_152 = arith.addf %add3A_149, %add3A_132 : vector<16xf32>
        %mul3A_153 = arith.mulf %add3A_132, %add3A_132 : vector<16xf32>
        %add3A_154 = arith.addf %add3A_151, %mul3A_153 : vector<16xf32>
        %broadcast_in_dim3A = vector.shape_cast %xor3A_4 : vector<16xi32> to vector<16x1xi32>
        %gather3A = vector.shape_cast %broadcast_in_dim3A : vector<16x1xi32> to vector<16xi32>
        %gather3A_155 = tpu.dynamic_gather %add3A_152[%gather3A] in [0] : vector<16xf32>, vector<16xi32> -> vector<16xf32>
        %add3A_156 = arith.addf %add3A_152, %gather3A_155 : vector<16xf32>
        %broadcast_in_dim3A_157 = vector.shape_cast %xor3A_7 : vector<16xi32> to vector<16x1xi32>
        %gather3A_158 = vector.shape_cast %broadcast_in_dim3A_157 : vector<16x1xi32> to vector<16xi32>
        %gather3A_159 = tpu.dynamic_gather %add3A_156[%gather3A_158] in [0] : vector<16xf32>, vector<16xi32> -> vector<16xf32>
        %add3A_160 = arith.addf %add3A_156, %gather3A_159 : vector<16xf32>
        %broadcast_in_dim3A_161 = vector.shape_cast %xor3A_10 : vector<16xi32> to vector<16x1xi32>
        %gather3A_162 = vector.shape_cast %broadcast_in_dim3A_161 : vector<16x1xi32> to vector<16xi32>
        %gather3A_163 = tpu.dynamic_gather %add3A_160[%gather3A_162] in [0] : vector<16xf32>, vector<16xi32> -> vector<16xf32>
        %add3A_164 = arith.addf %add3A_160, %gather3A_163 : vector<16xf32>
        %broadcast_in_dim3A_165 = vector.shape_cast %xor3A_13 : vector<16xi32> to vector<16x1xi32>
        %gather3A_166 = vector.shape_cast %broadcast_in_dim3A_165 : vector<16x1xi32> to vector<16xi32>
        %gather3A_167 = tpu.dynamic_gather %add3A_164[%gather3A_166] in [0] : vector<16xf32>, vector<16xi32> -> vector<16xf32>
        %add3A_168 = arith.addf %add3A_164, %gather3A_167 : vector<16xf32>
        %mul3A_169 = arith.constant 7.812500e-03 : f32
        %mul3A_170 = vector.broadcast %mul3A_169 : f32 to vector<16xf32>
        %mul3A_171 = arith.mulf %add3A_168, %mul3A_170 : vector<16xf32>
        %broadcast_in_dim3A_172 = vector.shape_cast %xor3A_4 : vector<16xi32> to vector<16x1xi32>
        %gather3A_173 = vector.shape_cast %broadcast_in_dim3A_172 : vector<16x1xi32> to vector<16xi32>
        %gather3A_174 = tpu.dynamic_gather %add3A_154[%gather3A_173] in [0] : vector<16xf32>, vector<16xi32> -> vector<16xf32>
        %add3A_175 = arith.addf %add3A_154, %gather3A_174 : vector<16xf32>
        %broadcast_in_dim3A_176 = vector.shape_cast %xor3A_7 : vector<16xi32> to vector<16x1xi32>
        %gather3A_177 = vector.shape_cast %broadcast_in_dim3A_176 : vector<16x1xi32> to vector<16xi32>
        %gather3A_178 = tpu.dynamic_gather %add3A_175[%gather3A_177] in [0] : vector<16xf32>, vector<16xi32> -> vector<16xf32>
        %add3A_179 = arith.addf %add3A_175, %gather3A_178 : vector<16xf32>
        %broadcast_in_dim3A_180 = vector.shape_cast %xor3A_10 : vector<16xi32> to vector<16x1xi32>
        %gather3A_181 = vector.shape_cast %broadcast_in_dim3A_180 : vector<16x1xi32> to vector<16xi32>
        %gather3A_182 = tpu.dynamic_gather %add3A_179[%gather3A_181] in [0] : vector<16xf32>, vector<16xi32> -> vector<16xf32>
        %add3A_183 = arith.addf %add3A_179, %gather3A_182 : vector<16xf32>
        %broadcast_in_dim3A_184 = vector.shape_cast %xor3A_13 : vector<16xi32> to vector<16x1xi32>
        %gather3A_185 = vector.shape_cast %broadcast_in_dim3A_184 : vector<16x1xi32> to vector<16xi32>
        %gather3A_186 = tpu.dynamic_gather %add3A_183[%gather3A_185] in [0] : vector<16xf32>, vector<16xi32> -> vector<16xf32>
        %add3A_187 = arith.addf %add3A_183, %gather3A_186 : vector<16xf32>
        %mul3A_188 = arith.constant 7.812500e-03 : f32
        %mul3A_189 = vector.broadcast %mul3A_188 : f32 to vector<16xf32>
        %mul3A_190 = arith.mulf %add3A_187, %mul3A_189 : vector<16xf32>
        %mul3A_191 = arith.mulf %mul3A_171, %mul3A_171 : vector<16xf32>
        %sub3A = arith.subf %mul3A_190, %mul3A_191 : vector<16xf32>
        %add3A_192 = arith.constant 9.99999996E-13 : f32
        %add3A_193 = vector.broadcast %add3A_192 : f32 to vector<16xf32>
        %add3A_194 = arith.addf %sub3A, %add3A_193 : vector<16xf32>
        %bitcast_convert_type3A = tpu.bitcast %add3A_194 : vector<16xf32> -> vector<16xi32>
        %shift_right_arithmetic3A = arith.constant 1 : i32
        %shift_right_arithmetic3A_195 = vector.broadcast %shift_right_arithmetic3A : i32 to vector<16xi32>
        %shift_right_arithmetic3A_196 = arith.shrsi %bitcast_convert_type3A, %shift_right_arithmetic3A_195 : vector<16xi32>
        %sub3A_197 = arith.constant 1597463007 : i32
        %sub3A_198 = vector.broadcast %sub3A_197 : i32 to vector<16xi32>
        %sub3A_199 = arith.subi %sub3A_198, %shift_right_arithmetic3A_196 : vector<16xi32>
        %bitcast_convert_type3A_200 = tpu.bitcast %sub3A_199 : vector<16xi32> -> vector<16xf32>
        %mul3A_201 = arith.constant 5.000000e-01 : f32
        %mul3A_202 = vector.broadcast %mul3A_201 : f32 to vector<16xf32>
        %mul3A_203 = arith.mulf %mul3A_202, %add3A_194 : vector<16xf32>
        %mul3A_204 = arith.mulf %mul3A_203, %bitcast_convert_type3A_200 : vector<16xf32>
        %mul3A_205 = arith.mulf %mul3A_204, %bitcast_convert_type3A_200 : vector<16xf32>
        %sub3A_206 = arith.constant 1.500000e+00 : f32
        %sub3A_207 = vector.broadcast %sub3A_206 : f32 to vector<16xf32>
        %sub3A_208 = arith.subf %sub3A_207, %mul3A_205 : vector<16xf32>
        %mul3A_209 = arith.mulf %bitcast_convert_type3A_200, %sub3A_208 : vector<16xf32>
        %mul3A_210 = arith.constant 5.000000e-01 : f32
        %mul3A_211 = vector.broadcast %mul3A_210 : f32 to vector<16xf32>
        %mul3A_212 = arith.mulf %mul3A_211, %add3A_194 : vector<16xf32>
        %mul3A_213 = arith.mulf %mul3A_212, %mul3A_209 : vector<16xf32>
        %mul3A_214 = arith.mulf %mul3A_213, %mul3A_209 : vector<16xf32>
        %sub3A_215 = arith.constant 1.500000e+00 : f32
        %sub3A_216 = vector.broadcast %sub3A_215 : f32 to vector<16xf32>
        %sub3A_217 = arith.subf %sub3A_216, %mul3A_214 : vector<16xf32>
        %mul3A_218 = arith.mulf %mul3A_209, %sub3A_217 : vector<16xf32>
        %mul3A_219 = arith.constant 5.000000e-01 : f32
        %mul3A_220 = vector.broadcast %mul3A_219 : f32 to vector<16xf32>
        %mul3A_221 = arith.mulf %mul3A_220, %add3A_194 : vector<16xf32>
        %mul3A_222 = arith.mulf %mul3A_221, %mul3A_218 : vector<16xf32>
        %mul3A_223 = arith.mulf %mul3A_222, %mul3A_218 : vector<16xf32>
        %sub3A_224 = arith.constant 1.500000e+00 : f32
        %sub3A_225 = vector.broadcast %sub3A_224 : f32 to vector<16xf32>
        %sub3A_226 = arith.subf %sub3A_225, %mul3A_223 : vector<16xf32>
        %mul3A_227 = arith.mulf %mul3A_218, %sub3A_226 : vector<16xf32>
        %neg3A = arith.constant 0.000000e+00 : f32
        %neg3A_228 = vector.broadcast %neg3A : f32 to vector<16xf32>
        %neg3A_229 = arith.subf %neg3A_228, %mul3A_171 : vector<16xf32>
        %mul3A_230 = arith.mulf %neg3A_229, %mul3A_227 : vector<16xf32>
        %mul3A_231 = arith.mulf %add3A_69, %mul3A_227 : vector<16xf32>
        %add3A_232 = arith.addf %mul3A_231, %mul3A_230 : vector<16xf32>
        %get3A_233 = arith.constant 0 : index
        %get3A_234 = tpu.vector_load %arg10[%get3A_233] {strides = array<i32>} : memref<128xf32, #tpu.memory_space<vmem>>, vector<16xf32>,
        %get3A_235 = vector.shape_cast %get3A_234 : vector<16xf32> to vector<16xf32>
        %mul3A_236 = arith.mulf %add3A_232, %get3A_235 : vector<16xf32>
        %get3A_237 = arith.constant 0 : index
        %get3A_238 = tpu.vector_load %arg11[%get3A_237] {strides = array<i32>} : memref<128xf32, #tpu.memory_space<vmem>>, vector<16xf32>,
        %get3A_239 = vector.shape_cast %get3A_238 : vector<16xf32> to vector<16xf32>
        %add3A_240 = arith.addf %mul3A_236, %get3A_239 : vector<16xf32>
        %swap3A = arith.index_cast %scan3A_44 : i32 to index
        %swap3A_241 = arith.constant 0 : index
        %swap3A_242 = tpu.vector_load %arg12[%swap3A, %swap3A_241] {strides = array<i32>} : memref<128x128xf32, #tpu.memory_space<vmem>>, vector<1x16xf32>,
        %swap3A_243 = vector.shape_cast %swap3A_242 : vector<1x16xf32> to vector<16xf32>
        %swap3A_244 = vector.shape_cast %add3A_240 : vector<16xf32> to vector<1x16xf32>
        tpu.vector_store %arg12[%swap3A, %swap3A_241], %swap3A_244 {strides = array<i32>} : memref<128x128xf32, #tpu.memory_space<vmem>>, vector<1x16xf32>,
        %mul3A_245 = arith.mulf %add3A_78, %mul3A_227 : vector<16xf32>
        %add3A_246 = arith.addf %mul3A_245, %mul3A_230 : vector<16xf32>
        %get3A_247 = arith.constant 16 : index
        %get3A_248 = tpu.vector_load %arg10[%get3A_247] {strides = array<i32>} : memref<128xf32, #tpu.memory_space<vmem>>, vector<16xf32>,
        %get3A_249 = vector.shape_cast %get3A_248 : vector<16xf32> to vector<16xf32>
        %mul3A_250 = arith.mulf %add3A_246, %get3A_249 : vector<16xf32>
        %get3A_251 = arith.constant 16 : index
        %get3A_252 = tpu.vector_load %arg11[%get3A_251] {strides = array<i32>} : memref<128xf32, #tpu.memory_space<vmem>>, vector<16xf32>,
        %get3A_253 = vector.shape_cast %get3A_252 : vector<16xf32> to vector<16xf32>
        %add3A_254 = arith.addf %mul3A_250, %get3A_253 : vector<16xf32>
        %swap3A_255 = arith.index_cast %scan3A_44 : i32 to index
        %swap3A_256 = arith.constant 16 : index
        %swap3A_257 = tpu.vector_load %arg12[%swap3A_255, %swap3A_256] {strides = array<i32>} : memref<128x128xf32, #tpu.memory_space<vmem>>, vector<1x16xf32>,
        %swap3A_258 = vector.shape_cast %swap3A_257 : vector<1x16xf32> to vector<16xf32>
        %swap3A_259 = vector.shape_cast %add3A_254 : vector<16xf32> to vector<1x16xf32>
        tpu.vector_store %arg12[%swap3A_255, %swap3A_256], %swap3A_259 {strides = array<i32>} : memref<128x128xf32, #tpu.memory_space<vmem>>, vector<1x16xf32>,
        %mul3A_260 = arith.mulf %add3A_87, %mul3A_227 : vector<16xf32>
        %add3A_261 = arith.addf %mul3A_260, %mul3A_230 : vector<16xf32>
        %get3A_262 = arith.constant 32 : index
        %get3A_263 = tpu.vector_load %arg10[%get3A_262] {strides = array<i32>} : memref<128xf32, #tpu.memory_space<vmem>>, vector<16xf32>,
        %get3A_264 = vector.shape_cast %get3A_263 : vector<16xf32> to vector<16xf32>
        %mul3A_265 = arith.mulf %add3A_261, %get3A_264 : vector<16xf32>
        %get3A_266 = arith.constant 32 : index
        %get3A_267 = tpu.vector_load %arg11[%get3A_266] {strides = array<i32>} : memref<128xf32, #tpu.memory_space<vmem>>, vector<16xf32>,
        %get3A_268 = vector.shape_cast %get3A_267 : vector<16xf32> to vector<16xf32>
        %add3A_269 = arith.addf %mul3A_265, %get3A_268 : vector<16xf32>
        %swap3A_270 = arith.index_cast %scan3A_44 : i32 to index
        %swap3A_271 = arith.constant 32 : index
        %swap3A_272 = tpu.vector_load %arg12[%swap3A_270, %swap3A_271] {strides = array<i32>} : memref<128x128xf32, #tpu.memory_space<vmem>>, vector<1x16xf32>,
        %swap3A_273 = vector.shape_cast %swap3A_272 : vector<1x16xf32> to vector<16xf32>
        %swap3A_274 = vector.shape_cast %add3A_269 : vector<16xf32> to vector<1x16xf32>
        tpu.vector_store %arg12[%swap3A_270, %swap3A_271], %swap3A_274 {strides = array<i32>} : memref<128x128xf32, #tpu.memory_space<vmem>>, vector<1x16xf32>,
        %mul3A_275 = arith.mulf %add3A_96, %mul3A_227 : vector<16xf32>
        %add3A_276 = arith.addf %mul3A_275, %mul3A_230 : vector<16xf32>
        %get3A_277 = arith.constant 48 : index
        %get3A_278 = tpu.vector_load %arg10[%get3A_277] {strides = array<i32>} : memref<128xf32, #tpu.memory_space<vmem>>, vector<16xf32>,
        %get3A_279 = vector.shape_cast %get3A_278 : vector<16xf32> to vector<16xf32>
        %mul3A_280 = arith.mulf %add3A_276, %get3A_279 : vector<16xf32>
        %get3A_281 = arith.constant 48 : index
        %get3A_282 = tpu.vector_load %arg11[%get3A_281] {strides = array<i32>} : memref<128xf32, #tpu.memory_space<vmem>>, vector<16xf32>,
        %get3A_283 = vector.shape_cast %get3A_282 : vector<16xf32> to vector<16xf32>
        %add3A_284 = arith.addf %mul3A_280, %get3A_283 : vector<16xf32>
        %swap3A_285 = arith.index_cast %scan3A_44 : i32 to index
        %swap3A_286 = arith.constant 48 : index
        %swap3A_287 = tpu.vector_load %arg12[%swap3A_285, %swap3A_286] {strides = array<i32>} : memref<128x128xf32, #tpu.memory_space<vmem>>, vector<1x16xf32>,
        %swap3A_288 = vector.shape_cast %swap3A_287 : vector<1x16xf32> to vector<16xf32>
        %swap3A_289 = vector.shape_cast %add3A_284 : vector<16xf32> to vector<1x16xf32>
        tpu.vector_store %arg12[%swap3A_285, %swap3A_286], %swap3A_289 {strides = array<i32>} : memref<128x128xf32, #tpu.memory_space<vmem>>, vector<1x16xf32>,
        %mul3A_290 = arith.mulf %add3A_105, %mul3A_227 : vector<16xf32>
        %add3A_291 = arith.addf %mul3A_290, %mul3A_230 : vector<16xf32>
        %get3A_292 = arith.constant 64 : index
        %get3A_293 = tpu.vector_load %arg10[%get3A_292] {strides = array<i32>} : memref<128xf32, #tpu.memory_space<vmem>>, vector<16xf32>,
        %get3A_294 = vector.shape_cast %get3A_293 : vector<16xf32> to vector<16xf32>
        %mul3A_295 = arith.mulf %add3A_291, %get3A_294 : vector<16xf32>
        %get3A_296 = arith.constant 64 : index
        %get3A_297 = tpu.vector_load %arg11[%get3A_296] {strides = array<i32>} : memref<128xf32, #tpu.memory_space<vmem>>, vector<16xf32>,
        %get3A_298 = vector.shape_cast %get3A_297 : vector<16xf32> to vector<16xf32>
        %add3A_299 = arith.addf %mul3A_295, %get3A_298 : vector<16xf32>
        %swap3A_300 = arith.index_cast %scan3A_44 : i32 to index
        %swap3A_301 = arith.constant 64 : index
        %swap3A_302 = tpu.vector_load %arg12[%swap3A_300, %swap3A_301] {strides = array<i32>} : memref<128x128xf32, #tpu.memory_space<vmem>>, vector<1x16xf32>,
        %swap3A_303 = vector.shape_cast %swap3A_302 : vector<1x16xf32> to vector<16xf32>
        %swap3A_304 = vector.shape_cast %add3A_299 : vector<16xf32> to vector<1x16xf32>
        tpu.vector_store %arg12[%swap3A_300, %swap3A_301], %swap3A_304 {strides = array<i32>} : memref<128x128xf32, #tpu.memory_space<vmem>>, vector<1x16xf32>,
        %mul3A_305 = arith.mulf %add3A_114, %mul3A_227 : vector<16xf32>
        %add3A_306 = arith.addf %mul3A_305, %mul3A_230 : vector<16xf32>
        %get3A_307 = arith.constant 80 : index
        %get3A_308 = tpu.vector_load %arg10[%get3A_307] {strides = array<i32>} : memref<128xf32, #tpu.memory_space<vmem>>, vector<16xf32>,
        %get3A_309 = vector.shape_cast %get3A_308 : vector<16xf32> to vector<16xf32>
        %mul3A_310 = arith.mulf %add3A_306, %get3A_309 : vector<16xf32>
        %get3A_311 = arith.constant 80 : index
        %get3A_312 = tpu.vector_load %arg11[%get3A_311] {strides = array<i32>} : memref<128xf32, #tpu.memory_space<vmem>>, vector<16xf32>,
        %get3A_313 = vector.shape_cast %get3A_312 : vector<16xf32> to vector<16xf32>
        %add3A_314 = arith.addf %mul3A_310, %get3A_313 : vector<16xf32>
        %swap3A_315 = arith.index_cast %scan3A_44 : i32 to index
        %swap3A_316 = arith.constant 80 : index
        %swap3A_317 = tpu.vector_load %arg12[%swap3A_315, %swap3A_316] {strides = array<i32>} : memref<128x128xf32, #tpu.memory_space<vmem>>, vector<1x16xf32>,
        %swap3A_318 = vector.shape_cast %swap3A_317 : vector<1x16xf32> to vector<16xf32>
        %swap3A_319 = vector.shape_cast %add3A_314 : vector<16xf32> to vector<1x16xf32>
        tpu.vector_store %arg12[%swap3A_315, %swap3A_316], %swap3A_319 {strides = array<i32>} : memref<128x128xf32, #tpu.memory_space<vmem>>, vector<1x16xf32>,
        %mul3A_320 = arith.mulf %add3A_123, %mul3A_227 : vector<16xf32>
        %add3A_321 = arith.addf %mul3A_320, %mul3A_230 : vector<16xf32>
        %get3A_322 = arith.constant 96 : index
        %get3A_323 = tpu.vector_load %arg10[%get3A_322] {strides = array<i32>} : memref<128xf32, #tpu.memory_space<vmem>>, vector<16xf32>,
        %get3A_324 = vector.shape_cast %get3A_323 : vector<16xf32> to vector<16xf32>
        %mul3A_325 = arith.mulf %add3A_321, %get3A_324 : vector<16xf32>
        %get3A_326 = arith.constant 96 : index
        %get3A_327 = tpu.vector_load %arg11[%get3A_326] {strides = array<i32>} : memref<128xf32, #tpu.memory_space<vmem>>, vector<16xf32>,
        %get3A_328 = vector.shape_cast %get3A_327 : vector<16xf32> to vector<16xf32>
        %add3A_329 = arith.addf %mul3A_325, %get3A_328 : vector<16xf32>
        %swap3A_330 = arith.index_cast %scan3A_44 : i32 to index
        %swap3A_331 = arith.constant 96 : index
        %swap3A_332 = tpu.vector_load %arg12[%swap3A_330, %swap3A_331] {strides = array<i32>} : memref<128x128xf32, #tpu.memory_space<vmem>>, vector<1x16xf32>,
        %swap3A_333 = vector.shape_cast %swap3A_332 : vector<1x16xf32> to vector<16xf32>
        %swap3A_334 = vector.shape_cast %add3A_329 : vector<16xf32> to vector<1x16xf32>
        tpu.vector_store %arg12[%swap3A_330, %swap3A_331], %swap3A_334 {strides = array<i32>} : memref<128x128xf32, #tpu.memory_space<vmem>>, vector<1x16xf32>,
        %mul3A_335 = arith.mulf %add3A_132, %mul3A_227 : vector<16xf32>
        %add3A_336 = arith.addf %mul3A_335, %mul3A_230 : vector<16xf32>
        %get3A_337 = arith.constant 112 : index
        %get3A_338 = tpu.vector_load %arg10[%get3A_337] {strides = array<i32>} : memref<128xf32, #tpu.memory_space<vmem>>, vector<16xf32>,
        %get3A_339 = vector.shape_cast %get3A_338 : vector<16xf32> to vector<16xf32>
        %mul3A_340 = arith.mulf %add3A_336, %get3A_339 : vector<16xf32>
        %get3A_341 = arith.constant 112 : index
        %get3A_342 = tpu.vector_load %arg11[%get3A_341] {strides = array<i32>} : memref<128xf32, #tpu.memory_space<vmem>>, vector<16xf32>,
        %get3A_343 = vector.shape_cast %get3A_342 : vector<16xf32> to vector<16xf32>
        %add3A_344 = arith.addf %mul3A_340, %get3A_343 : vector<16xf32>
        %swap3A_345 = arith.index_cast %scan3A_44 : i32 to index
        %swap3A_346 = arith.constant 112 : index
        %swap3A_347 = tpu.vector_load %arg12[%swap3A_345, %swap3A_346] {strides = array<i32>} : memref<128x128xf32, #tpu.memory_space<vmem>>, vector<1x16xf32>,
        %swap3A_348 = vector.shape_cast %swap3A_347 : vector<1x16xf32> to vector<16xf32>
        %swap3A_349 = vector.shape_cast %add3A_344 : vector<16xf32> to vector<1x16xf32>
        tpu.vector_store %arg12[%swap3A_345, %swap3A_346], %swap3A_349 {strides = array<i32>} : memref<128x128xf32, #tpu.memory_space<vmem>>, vector<1x16xf32>,
      }
      %scan3A_40 = arith.constant 128 : i32
      %mul3A_41 = arith.constant 128 : i32
      %mul3A_42 = arith.muli %scan3A_19, %mul3A_41 : i32
      %add3A_43 = arith.addi %mul3A_2, %mul3A_42 : i32
      "tpu.region"() ({
        %run_scoped3A = tpu.sem_alloc : memref<!tpu.dma_semaphore, #tpu.memory_space<semaphore_mem>>
        %dma_start3A_44 = arith.constant 0 : i32
        %dma_start3A_45 = tpu.memref_slice %arg7[%add3A_43, %dma_start3A_44] : memref<204800x128xf32, #tpu.memory_space<hbm>> -> memref<128x128xf32, #tpu.memory_space<hbm>>
        %dma_start3A_46 = arith.constant 0 : i32
        %dma_start3A_47 = tpu.memref_slice %arg7[%add3A_43, %dma_start3A_46] : memref<204800x128xf32, #tpu.memory_space<hbm>> -> memref<128x128xf32, #tpu.memory_space<hbm>>
        tpu.enqueue_dma source(%arg12 : memref<128x128xf32, #tpu.memory_space<vmem>>) target(%dma_start3A_47 : memref<128x128xf32, #tpu.memory_space<hbm>>) target_semaphore(%run_scoped3A : memref<!tpu.dma_semaphore, #tpu.memory_space<semaphore_mem>>)
        %dma_wait3A_48 = arith.constant 0 : i32
        %dma_wait3A_49 = tpu.memref_slice %arg7[%add3A_43, %dma_wait3A_48] : memref<204800x128xf32, #tpu.memory_space<hbm>> -> memref<128x128xf32, #tpu.memory_space<hbm>>
        %dma_wait3A_50 = arith.constant 0 : i32
        %dma_wait3A_51 = tpu.memref_slice %arg7[%add3A_43, %dma_wait3A_50] : memref<204800x128xf32, #tpu.memory_space<hbm>> -> memref<128x128xf32, #tpu.memory_space<hbm>>
        tpu.wait_dma2 semaphore(%run_scoped3A : memref<!tpu.dma_semaphore, #tpu.memory_space<semaphore_mem>>) src(%arg12 : memref<128x128xf32, #tpu.memory_space<vmem>>) dst(%dma_wait3A_51 : memref<128x128xf32, #tpu.memory_space<hbm>>)
        tpu.yield
      }) : () -> ()
    }
    %scan3A_18 = arith.constant 50 : i32
    return
  }
}

</mosaic_0001>

<sc_bundles>
// kernel: kernel.3.cloned.1.call-start
scs
__scs_entry_jumppad:
0x0: {  	(pc) =	sbr.rel $0x88, $3  }
0x1: {  	(tag) =	ssettag $0x0;
	lr =	simm.s32 $0x1  }
0x2: {  	[smem:$0x3F9C] =	sst lr;
	_ =	strace $0xD0000000  }
0x3: {  	_ = 	snop  }
0x4: {  	_ = 	snop  }
0x5: {  	_ = 	snop  }
0x6: {  	_ = 	snop  }
0x7: {  	_ = 	snop  }
__scs_overlays_trampoline_lowered:
0x8: {  	[smem:$0x3FAB] =	sst s0  }
0x9: {  	[smem:$0x3FAC] =	sst s1  }
0xa: {  	[smem:$0x3FAD] =	sst s2  }
0xb: {  	[smem:$0x3FAE] =	sst s3  }
0xc: {  	[smem:$0x3FAF] =	sst s4  }
0xd: {  	[smem:$0x3FB0] =	sst s5  }
0xe: {  	[smem:$0x3FB1] =	sst s6  }
0xf: {  	[smem:$0x3FB2] =	sst s7  }
0x10: {  	[smem:$0x3FB3] =	sst s8  }
0x11: {  	[smem:$0x3FB4] =	sst s9;
	s0 =	simm.s32 @!p0 $0x0  }
0x12: {  	s1 =	sld [smem:$0x3F9A];
	s0 =	simm.s32 @p0 $0x1  }
0x13: {  	[smem:$0x3FB5] =	sst s0;
	s0 =	simm.s32 @!p1 $0x0  }
0x14: {  	s2 =	sld [smem:$0x3F99];
	s0 =	simm.s32 @p1 $0x1  }
0x15: {  	[smem:$0x3FB6] =	sst s0;
	s0 =	simm.s32 @!p2 $0x0  }
0x16: {  	s3 =	sld [smem:$0x3FDB];
	s0 =	simm.s32 @p2 $0x1  }
0x17: {  	s4 =	simm.s32 $0x1BF5;
	[smem:$0x3FB8] =	sst s0  }
0x18: {  	s0 =	sld [smem:$0x3F9B];
	_ =	swait.ge [sflag:s4], $0x0  }
0x19: {  	s7 =	sld [smem:$0x3F9C]  }
0x1a: {  	s8 =	sadd.s32 $0xFFFFE003, lr  }
0x1b: {  	s9 =	sadd.s32 $0xFFFFFEF7, lr;
	s5 =	simm.s32 $0xFFFFFFFF;
	p2 =	slt.u32 s8, $0xFFFFF086  }
0x1c: {  	p1 =	slt.u32 s9, $0xF7A;
	s5 =	simm.s32 @!p2 $0x0  }
0x1d: {  	s5 =	simm.s32 @p1 $0x1;
	p0 =	seq.s32 s7, s2  }
0x1e: {  	s7 =	smul.u32 @!p0 $0xF7A, s2;
	p2 =	seq.s32 @!p0 s5, $0x0  }
0x1f: {  	s9 =	smul.u32 $0xF7A, s1;
	s8 =	simm.s32 @!p0 $0x1BF5;
	p2 =	por !p2, p0  }
0x20: {  	[sflag:s8] =	ssyncset.s32 @!p0 $0xFFFFF086;
	s6 =	sadd.s32 @!p0 s3, s7;
	s7 =	simm.s32 @!p0 $0x108  }
0x21: {  	s3 =	sadd.s32 s3, s9;
	s6 =	sadd.s32 @!p0 $0x88, s6;
	s7 =	simm.s32 @p2 $0x1082  }
0x22: {  	[simem:s7], [sflag:s8] =	dma.local @!p0 [hbm:s6], $0xF7A  }
0x23: {  	s9 =	sor.u32 $0xD0000000, s2;
	s6 =	simm.s32 $0x108;
	_ =	swait.ge @!p0 [sflag:s8], $0x0  }
0x24: {  	s3 =	sadd.s32 $0x88, s3;
	s6 =	simm.s32 @!p1 $0x1082;
	[sflag:s4] =	ssyncset.s32 $0xFFFFF086  }
0x25: {  	[simem:s6], [sflag:s4] =	dma.local [hbm:s3], $0xF7A  }
0x26: {  	[smem:$0x3F9C] =	sst s1;
	(tag) =	ssettag s2;
	_ =	strace s9  }
0x27: {  	s1 =	sld [smem:$0x3FAC]  }
0x28: {  	s2 =	sld [smem:$0x3FAD]  }
0x29: {  	s4 =	sld [smem:$0x3FAF]  }
0x2a: {  	p0 =	seq.s32 s5, $0x0;
	s5 =	sld [smem:$0x3FB0]  }
0x2b: {  	s6 =	sld [smem:$0x3FB1]  }
0x2c: {  	s7 =	sld [smem:$0x3FB2]  }
0x2d: {  	s3 =	simm.s32 $0x108;
	s8 =	sld [smem:$0x3FB3]  }
0x2e: {  	s3 =	simm.s32 @!p0 $0x1082;
	s9 =	sld [smem:$0x3FB4]  }
0x2f: {  	lr =	sadd.s32 s0, s3;
	s0 =	sld [smem:$0x3FAB]  }
0x30: {  	s3 =	sld [smem:$0x3FAE]  }
0x31: {  	[smem:$0x3FB7] =	sst s10  }
0x32: {  	s10 =	sld [smem:$0x3FB5];
	_ =	sdelay $0x3  }
0x33: {  	p0 =	seq.s32 s10, $0x1;
	s10 =	sld [smem:$0x3FB7];
	_ =	sdelay $0x3  }
0x34: {  	[smem:$0x3FB7] =	sst s10  }
0x35: {  	s10 =	sld [smem:$0x3FB6];
	_ =	sdelay $0x3  }
0x36: {  	p1 =	seq.s32 s10, $0x1;
	s10 =	sld [smem:$0x3FB7];
	_ =	sdelay $0x3  }
0x37: {  	[smem:$0x3FB7] =	sst s10  }
0x38: {  	s10 =	sld [smem:$0x3FB8]  }
0x39: {  	_ = 	snop;
	(pc) =	sbr.ind lr, $3  }
0x3a: {  	_ = 	snop  }
0x3b: {  	_ = 	snop  }
0x3c: {  	p2 =	seq.s32 s10, $0x1;
	s10 =	sld [smem:$0x3FB7]  }
0x3d: {  	_ =	shalt  }
0x3e: {  	_ =	shalt  }
0x3f: {  	_ =	shalt  }
0x40: {  	_ =	shalt  }
0x41: {  	_ =	shalt  }
0x42: {  	_ =	shalt  }
0x43: {  	_ =	shalt  }
0x44: {  	_ =	shalt  }
0x45: {  	_ =	shalt  }
0x46: {  	_ =	shalt  }
0x47: {  	_ =	shalt  }
0x48: {  	_ =	shalt  }
0x49: {  	_ =	shalt  }
0x4a: {  	_ =	shalt  }
0x4b: {  	_ =	shalt  }
0x4c: {  	_ =	shalt  }
0x4d: {  	_ =	shalt  }
0x4e: {  	_ =	shalt  }
0x4f: {  	_ =	shalt  }
0x50: {  	_ =	shalt  }
0x51: {  	_ =	shalt  }
0x52: {  	_ =	shalt  }
0x53: {  	_ =	shalt  }
0x54: {  	_ =	shalt  }
0x55: {  	_ =	shalt  }
0x56: {  	_ =	shalt  }
0x57: {  	_ =	shalt  }
0x58: {  	_ =	shalt  }
0x59: {  	_ =	shalt  }
0x5a: {  	_ =	shalt  }
0x5b: {  	_ =	shalt  }
0x5c: {  	_ =	shalt  }
0x5d: {  	_ =	shalt  }
0x5e: {  	_ =	shalt  }
0x5f: {  	_ =	shalt  }
0x60: {  	_ =	shalt  }
0x61: {  	_ =	shalt  }
0x62: {  	_ =	shalt  }
0x63: {  	_ =	shalt  }
0x64: {  	_ =	shalt  }
0x65: {  	_ =	shalt  }
0x66: {  	_ =	shalt  }
0x67: {  	_ =	shalt  }
0x68: {  	_ =	shalt  }
0x69: {  	_ =	shalt  }
0x6a: {  	_ =	shalt  }
0x6b: {  	_ =	shalt  }
0x6c: {  	_ =	shalt  }
0x6d: {  	_ =	shalt  }
0x6e: {  	_ =	shalt  }
0x6f: {  	_ =	shalt  }
0x70: {  	_ =	shalt  }
0x71: {  	_ =	shalt  }
0x72: {  	_ =	shalt  }
0x73: {  	_ =	shalt  }
0x74: {  	_ =	shalt  }
0x75: {  	_ =	shalt  }
0x76: {  	_ =	shalt  }
0x77: {  	_ =	shalt  }
0x78: {  	_ =	shalt  }
0x79: {  	_ =	shalt  }
0x7a: {  	_ =	shalt  }
0x7b: {  	_ =	shalt  }
0x7c: {  	_ =	shalt  }
0x7d: {  	_ =	shalt  }
0x7e: {  	_ =	shalt  }
0x7f: {  	_ =	shalt  }
0x80: {  	_ =	shalt  }
0x81: {  	_ =	shalt  }
0x82: {  	_ =	shalt  }
0x83: {  	_ =	shalt  }
0x84: {  	_ =	shalt  }
0x85: {  	_ =	shalt  }
0x86: {  	_ =	shalt  }
0x87: {  	_ =	shalt  }
.Lfunc_end0:
.L_simem_size_0:
called_computation_lowered:
.L_overlay_start_0:
0x88: {  	s2 =	sld [smem:$0x3FD9]  }
0x89: {  	s3 =	sld [smem:$0x3FFE];
	_ =	sdelay $0x1  }
0x8a: {  	s1 =	srdreg.scid  }
0x8b: {  	s0 =	sand.u32 $0x1, s1  }
0x8c: {  	s17 =	sshll.u32 s0, $0xA;
	s2 =	sadd.s32 s3, s2  }
0x8d: {  	s2 =	sadd.s32 s2, s17  }
0x8e: {  	[smem:$0x3FC3] =	sst s2  }
0x8f: {  	_ = 	snop  }
0x90: {  	s2 =	sld [smem:$0x3FC8]  }
0x91: {  	s18 =	sld [smem:$0x3FC7]  }
0x92: {  	s4 =	sld [smem:$0x3FC6]  }
0x93: {  	s5 =	sld [smem:$0x3FC5]  }
0x94: {  	s6 =	sld [smem:$0x3FD0];
	(tm) =	ssettm $0x1  }
0x95: {  	s7 =	sld [smem:$0x3FFB];
	_ =	sdelay $0x3  }
0x96: {  	_ =	strace s7  }
0x97: {  	s7 =	sld [smem:$0x3FFC];
	_ =	sdelay $0x3  }
0x98: {  	_ =	strace s7  }
0x99: {  	s7 =	sld [smem:$0x3FFD];
	_ =	sdelay $0x3  }
0x9a: {  	_ =	strace s7  }
0x9b: {  	_ =	strace $0x8FFFFFFF  }
0x9c: {  	s19 =	sld [smem:$0x3FDB];
	_ =	sdelay $0x1  }
0x9d: {  	s8 =	simm.s32 $_scs_section_size  }
0x9e: {  	s9 =	simm.s32 $_size__tile_overlayer_lowered;
	s10 =	simm.s32 $_tile_overlayer_lowered  }
0x9f: {  	s22 =	simm.s32 $0x1BFF;
	s21 =	sshll.u32 s10, $0x1;
	s7 =	sadd.s32 s8, s19  }
0xa0: {  	s11 =	simm.s32 $0x0;
	s20 =	sshll.u32 s9, $0x1;
	s9 =	sadd.s32 s21, s7  }
0xa1: {  	[timem:s11], [sflag:s22] =	dma.local [hbm:s9], s20  }
0xa2: {  	_ =	swait.ge [sflag:s22], s20  }
0xa3: {  	s8 =	ssub.s32 $0x0, s20;
	[sflag:s22] =	ssyncset.done $0x0  }
0xa4: {  	[sflag:s22] =	ssyncadd.s32 s8;
	_ =	sdelay $0x1  }
0xa5: {  	s23 =	simm.s32 $0x1B8B  }
0xa6: {  	_ =	swait.ge [sflag:s23], $0x1  }
0xa7: {  	[sflag:s23] =	ssyncset.done $0x0  }
0xa8: {  	s25 =	simm.s32 $0x1B8E;
	s24 =	sld [smem:$0x3FFE];
	[sflag:s23] =	ssyncadd.s32 $0xFFFFFFFF  }
0xa9: {  	s26 =	simm.s32 $execute0_lowered;
	[smem:$0x3FD2] =	sst s25  }
0xaa: {  	s9 =	sshll.u32 s26, $0x1;
	_ =	strace $0x80000046;
	[dreg:$0x1] =	wrdreg $0xFFFFFFFF  }
0xab: {  	s28 =	simm.s32 $_size_execute0_lowered;
	s7 =	sadd.s32 s7, s9;
	[dreg:$0x0] =	wrdreg $0x0  }
0xac: {  	s9 =	sshll.u32 s28, $0x1;
	[dreg:$0x2] =	wrdreg s7  }
0xad: {  	[dreg:$0x3] =	wrdreg s9  }
0xae: {  	[dreg:$0x4] =	wrdreg $0xC0  }
0xaf: {  	_ =	task [dreg:s11], $0x5FFFF  }
0xb0: {  	[dreg:$0x1] =	wrdreg $0xFFFFFFFF  }
0xb1: {  	[dreg:$0x0] =	wrdreg $0x60  }
0xb2: {  	[dreg:$0x2] =	wrdreg s24  }
0xb3: {  	[dreg:$0x3] =	wrdreg s2  }
0xb4: {  	[dreg:$0x4] =	wrdreg s18  }
0xb5: {  	[dreg:$0x5] =	wrdreg s4  }
0xb6: {  	[dreg:$0x6] =	wrdreg s5  }
0xb7: {  	[dreg:$0x7] =	wrdreg s6  }
0xb8: {  	[dreg:$0x8] =	wrdreg $0x9  }
0xb9: {  	_ =	task.clear_ibuf [dreg:s11], $0x9FFFF;
	_ =	strace $0x90000046  }
0xba: {  	s29 =	simm.s32 $0x9;
	_ =	strace $0x80000048  }
0xbb: {  	_ =	swait.ge [sflag:s29], $0x1  }
0xbc: {  	[sflag:s29] =	ssyncadd.s32 $0xFFFFFFFF  }
0xbd: {  	_ =	strace $0x90000048  }
0xbe: {  	_ =	sfence  }
0xbf: {  	s30 =	sld [smem:$0x0];
	_ =	sdelay $0x2  }
0xc0: {  	s31 =	sshll.u32 s1, $0xD;
	s1 =	sshrl.u32 s1, $0x2  }
0xc1: {  	s3 =	sand.u32 $0x4000, s31;
	s1 =	sadd.s32 s1, s30  }
0xc2: {  	s0 =	sor.u32 s3, s0;
	s1 =	sshll.u32 s1, $0x11  }
0xc3: {  	s0 =	sor.u32 s1, s0  }
0xc4: {  	s0 =	sadd.s32 $0x8F2B, s0  }
0xc5: {  	[sflag:s0] =	ssyncadd.remote.s32 $0x1  }
0xc6: {  	_ =	sfence.sel $0xFFFF  }
0xc7: {  	[dreg:$0x0] =	wrdreg $0xFFFFFFFF;
	(pc) =	sbr.abs _section_cstart, $3  }
0xc8: {  	[dreg:$0x1] =	wrdreg $0xFFFFFFFF  }
0xc9: {  	_ =	task.clear_ibuf [dreg:s11], $0x2FFFF;
	_ =	strace $0x9FFFFFFF  }
0xca: {  	(tm) =	ssettm $0x7FFFFFFF  }
0xcb: {  	_ =	shalt  }
tec
execute0_lowered:
.L_overlay_start_1:
0x0: {  	(tag) =	ssettag $0x1  }
0x1: {  	s8 =	rddreg [dreg:$0x0]  }
0x2: {  	s0 =	rddreg [dreg:$0x1]  }
0x3: {  	v0 =	vimm.s32 $0xFEDCBA98;
	s1 =	rddreg [dreg:$0x2];
	v1 =	vimm.s32 $0x76543210  }
0x4: {  	s2 =	rddreg [dreg:$0x3];
	v2 =	vimm.s32 $0xBA98FEDC;
	v3 =	vimm.s32 $0x32107654;
	v4 =	vimm.s32 $0xDCFE98BA  }
0x5: {  	s3 =	rddreg [dreg:$0x4];
	v5 =	vimm.s32 $0x54761032;
	v6 =	vimm.s32 $0xEFCDAB89;
	v7 =	vimm.s32 $0x67452301  }
0x6: {  	s5 =	rddreg [dreg:$0x5];
	v0 =	vunpack.c.l.s4.s8 v0;
	v1 =	vunpack.c.l.s4.s8 v1;
	v2 =	vunpack.c.l.s4.s8 v2  }
0x7: {  	s4 =	rddreg [dreg:$0x6];
	s9 =	srdreg.scid;
	v3 =	vunpack.c.l.s4.s8 v3;
	v4 =	vunpack.c.l.s4.s8 v4;
	v5 =	vunpack.c.l.s4.s8 v5  }
0x8: {  	s7 =	simm.s32 $0x0;
	s6 =	stileid.u32;
	s13 =	simm.s32 $0x2;
	v6 =	vunpack.c.l.s4.s8 v6;
	v7 =	vunpack.c.l.s4.s8 v7;
	v0 =	vunpack.c.0.s8.s32 v0  }
0x9: {  	s14 =	simm.s32 $0x6480;
	s15 =	simm.s32 $0x6500;
	s16 =	simm.s32 $0x6580;
	v2 =	vunpack.c.0.s8.s32 v2;
	v3 =	vunpack.c.0.s8.s32 v3;
	v4 =	vunpack.c.0.s8.s32 v4  }
0xa: {  	s17 =	simm.s32 $0x1;
	s18 =	simm.s32 $0x0;
	s9 =	sand.u32 $0x1, s9;
	v5 =	vunpack.c.0.s8.s32 v5;
	v6 =	vunpack.c.0.s8.s32 v6;
	v7 =	vunpack.c.0.s8.s32 v7  }
0xb: {  	[smem:$0x7FF] =	sst s7;
	s11 =	sshll.u32 s6, $0x1;
	s10 =	ssub.s32 $0x2, s9;
	v1 =	vunpack.c.0.s8.s32 v1;
	v2 =	vcombine.low v3, v2  }
0xc: {  	s8 =	sadd.s32 $0x400, s8;
	s11 =	sor.u32 s9, s11;
	s12 =	sshrl.u32 s10, $0x1;
	v3 =	vcombine.low v5, v4;
	v4 =	vcombine.low v7, v6;
	v0 =	vand.u32 $0xF, v0  }
0xd: {  	_ =	strace $0x80000047;
	s9 =	smul.u32 $0x1900, s11;
	s12 =	ssub.s32 s10, s12;
	v0 =	vcombine.low v0, v1  }
0xe: {  	s10 =	smul.u32 $0x1C00, s11;
	s11 =	smax.u32 s12, $0x1;
	s12 =	simm.s32 $0x80;
	v1 =	vand.u32 $0xF, v2;
	v2 =	vand.u32 $0xF, v3;
	v3 =	vand.u32 $0xF, v4  }
.LBB2_1:
0xf: {  	[tilespmem:s12], [sflag:$0x2] =	stream.linear.gather [hbm4b:s1+s7], $0x6400, $0x38;
	[tilespmem:$0xA580] =	vst v63  }
0x10: {  	_ =	swait.ge [sflag:s13], $0x6400  }
0x11: {  	[sflag:s13] =	ssyncset.done $0x0  }
0x12: {  	[sflag:s13] =	ssyncadd.s32 $0xFFFF9C00  }
0x13: {  	[tilespmem:s14], [sflag:$0x2] =	stream.linear.gather [hbm4b:s2+s7], $0x80, $0x38;
	[tilespmem:$0xA580] =	vst v63  }
0x14: {  	_ =	swait.ge [sflag:s13], $0x80  }
0x15: {  	[sflag:s13] =	ssyncset.done $0x0  }
0x16: {  	[sflag:s13] =	ssyncadd.s32 $0xFFFFFF80  }
0x17: {  	[tilespmem:s15], [sflag:$0x2] =	stream.linear.gather [hbm4b:s3+s7], $0x80, $0x38;
	[tilespmem:$0xA580] =	vst v63  }
0x18: {  	_ =	swait.ge [sflag:s13], $0x80  }
0x19: {  	s19 =	simm.s32 $0x0;
	[sflag:s13] =	ssyncset.done $0x0  }
0x1a: {  	s20 =	simm.s32 $0x0;
	s21 =	simm.s32 $0x0;
	[sflag:s13] =	ssyncadd.s32 $0xFFFFFF80  }
.LBB2_2:
0x1b: {  	s22 =	sshll.u32 s21, $0x7;
	s25 =	smulhi.u32 $0x51EB851F, s20  }
0x1c: {  	s23 =	sand.u32 $0x1C00, s22  }
0x1d: {  	s24 =	sand.u32 $0x380, s22;
	s23 =	sadd.s32 s10, s23;
	s26 =	sshrl.u32 s25, $0x6  }
0x1e: {  	s23 =	sor.u32 s24, s23;
	s30 =	smul.u32 $0xC8, s26  }
0x1f: {  	s25 =	simm.s32 $0x0;
	s23 =	sshrl.u32 s23, $0x3  }
0x20: {  	s26 =	smul.u32 $0xFFFE7000, s26;
	s23 =	sadd.s32 s8, s23;
	s31 =	ssub.s32 s20, s30  }
0x21: {  	[tilespmem:s25], [sflag:$0x2] =	stream.linear.gather [hbm4b:s23+s25], $0x80, $0x38;
	[tilespmem:$0xA580] =	vst v63  }
0x22: {  	s23 =	smulhi.u32 $0x51EB851F, s31;
	_ =	swait.ge [sflag:s13], $0x80  }
0x23: {  	[sflag:s13] =	ssyncset.done $0x0  }
0x24: {  	s26 =	sshra.s32 s26, $0x2;
	s23 =	sshrl.u32 s23, $0x6;
	[sflag:s13] =	ssyncadd.s32 $0xFFFFFF80  }
0x25: {  	[tilespmem:s16], [sflag:$0x1] =	stream.indirect.gather [hbm4b:s0+s12], $0x80, s25, s12, $0xb8;
	[tilespmem:$0xA580] =	vst v63  }
0x26: {  	s23 =	smul.u32 $0x19000, s23;
	s25 =	sor.u32 $0x80, s26;
	_ =	swait.ge [sflag:s17], $0x4000  }
0x27: {  	v4 =	vmov s25;
	[sflag:s17] =	ssyncset.done $0x0  }
0x28: {  	s30 =	ssub.s32 s19, s23;
	s23 =	simm.s32 $0x0;
	[sflag:s17] =	ssyncadd.s32 $0xFFFFC000  }
0x29: {  	v5 =	vld [tilespmem:s23+$0x6580]  }
0x2a: {  	s25 =	sadd.s32 $0x0, s30;
	v6 =	vld [tilespmem:s23+$0x6590]  }
0x2b: {  	s25 =	sshra.s32 s25, $0x2;
	v10 =	vld [tilespmem:s23+$0x65A0]  }
0x2c: {  	v7 =	vld.idx.msk [tilespmem:v4+s25+$0x0 ss:$0x1], $0xffff  }
0x2d: {  	v8 =	vld.idx.msk [tilespmem:v4+s25+$0x10 ss:$0x1], $0xffff  }
0x2e: {  	v9 =	vld.idx.msk [tilespmem:v4+s25+$0x20 ss:$0x1], $0xffff  }
0x2f: {  	v12 =	vld [tilespmem:s23+$0x65B0]  }
0x30: {  	v11 =	vld.idx.msk [tilespmem:v4+s25+$0x30 ss:$0x1], $0xffff  }
0x31: {  	v13 =	vld.idx.msk [tilespmem:v4+s25+$0x40 ss:$0x1], $0xffff  }
0x32: {  	v5 =	vadd.f32 v7, v5;
	v6 =	vadd.f32 v8, v6;
	v7 =	vld [tilespmem:s23+$0x65C0]  }
0x33: {  	v14 =	vld [tilespmem:s23+$0x65D0];
	v42 =	vadd.f32 v9, v10  }
0x34: {  	v43 =	vld.idx.msk [tilespmem:v4+s25+$0x50 ss:$0x1], $0xffff;
	v44 =	vmul.f32 v5, v5;
	v15 =	vadd.f32 v6, v5;
	v16 =	vmul.f32 v6, v6  }
0x35: {  	v18 =	vld [tilespmem:s23+$0x65E0];
	v11 =	vadd.f32 v11, v12  }
0x36: {  	v45 =	vld.idx.msk [tilespmem:v4+s25+$0x60 ss:$0x1], $0xffff;
	v17 =	vmul.f32 v42, v42;
	v10 =	vadd.f32 v16, v44;
	v15 =	vadd.f32 v42, v15  }
0x37: {  	v19 =	vld [tilespmem:s23+$0x65F0];
	v7 =	vadd.f32 v13, v7  }
0x38: {  	v46 =	vld.idx.msk [tilespmem:v4+s25+$0x70 ss:$0x1], $0xffff;
	v47 =	vmul.f32 v11, v11;
	v10 =	vadd.f32 v17, v10;
	v15 =	vadd.f32 v11, v15  }
0x39: {  	v9 =	vadd.f32 v43, v14  }
0x3a: {  	v48 =	vmul.f32 v7, v7;
	v10 =	vadd.f32 v47, v10;
	v15 =	vadd.f32 v7, v15  }
0x3b: {  	v12 =	vadd.f32 v45, v18  }
0x3c: {  	v49 =	vmul.f32 v9, v9;
	v10 =	vadd.f32 v48, v10;
	v50 =	vadd.f32 v9, v15  }
0x3d: {  	v13 =	vadd.f32 v46, v19  }
0x3e: {  	v51 =	vmul.f32 v12, v12;
	v10 =	vadd.f32 v49, v10;
	v14 =	vadd.f32 v12, v50;
	_ =	sdelay $0x1  }
0x3f: {  	v52 =	vmul.f32 v13, v13;
	v10 =	vadd.f32 v51, v10;
	v14 =	vadd.f32 v13, v14;
	_ =	sdelay $0x1  }
0x40: {  	v10 =	vadd.f32 v52, v10;
	v53 =	vperm.xlane v14, v0;
	_ =	sdelay $0x1  }
0x41: {  	v14 =	vadd.f32 v14, v53;
	v54 =	vperm.xlane v10, v0;
	_ =	sdelay $0x1  }
0x42: {  	v55 =	vperm.xlane v14, v1;
	v10 =	vadd.f32 v54, v10;
	_ =	sdelay $0x1  }
0x43: {  	v14 =	vadd.f32 v14, v55;
	v15 =	vperm.xlane v10, v1;
	_ =	sdelay $0x1  }
0x44: {  	v16 =	vperm.xlane v14, v2;
	v10 =	vadd.f32 v15, v10;
	_ =	sdelay $0x1  }
0x45: {  	v14 =	vadd.f32 v14, v16;
	v15 =	vperm.xlane v10, v2;
	_ =	sdelay $0x1  }
0x46: {  	v16 =	vperm.xlane v14, v3;
	v10 =	vadd.f32 v15, v10;
	_ =	sdelay $0x1  }
0x47: {  	v14 =	vadd.f32 v14, v16;
	v15 =	vperm.xlane v10, v3;
	_ =	sdelay $0x1  }
0x48: {  	v14 =	vmul.f32 $7.812500000e-03, v14;
	v10 =	vadd.f32 v15, v10;
	_ =	sdelay $0x1  }
0x49: {  	v10 =	vmul.f32 $7.812500000e-03, v10;
	v56 =	vmul.f32 v14, v14;
	_ =	sdelay $0x1  }
0x4a: {  	v10 =	vsub.f32 v10, v56;
	_ =	sdelay $0x1  }
0x4b: {  	v10 =	vadd.f32 $9.999999960e-13, v10;
	_ =	sdelay $0x1  }
0x4c: {  	v57 =	vshra.s32 v10, $0x1;
	v10 =	vmul.f32 $5.000000000e-01, v10  }
0x4d: {  	v15 =	vsub.s32 $0x5F3759DF, v57  }
0x4e: {  	v58 =	vmul.f32 v15, v10;
	_ =	sdelay $0x1  }
0x4f: {  	v16 =	vmul.f32 v15, v58;
	_ =	sdelay $0x1  }
0x50: {  	v16 =	vsub.f32 $1.500000000e+00, v16;
	_ =	sdelay $0x1  }
0x51: {  	v15 =	vmul.f32 v15, v16;
	_ =	sdelay $0x1  }
0x52: {  	v16 =	vmul.f32 v15, v10;
	_ =	sdelay $0x1  }
0x53: {  	v16 =	vmul.f32 v16, v15;
	_ =	sdelay $0x1  }
0x54: {  	v16 =	vsub.f32 $1.500000000e+00, v16;
	_ =	sdelay $0x1  }
0x55: {  	v15 =	vmul.f32 v16, v15;
	_ =	sdelay $0x1  }
0x56: {  	v10 =	vmul.f32 v15, v10;
	_ =	sdelay $0x1  }
0x57: {  	v10 =	vmul.f32 v10, v15;
	_ =	sdelay $0x1  }
0x58: {  	v10 =	vsub.f32 $1.500000000e+00, v10;
	_ =	sdelay $0x1  }
0x59: {  	v14 =	vsub.f32 $0.0e+00, v14;
	v10 =	vmul.f32 v10, v15  }
0x5a: {  	v59 =	vld [tilespmem:$0x6480]  }
0x5b: {  	v14 =	vmul.f32 v10, v14;
	v5 =	vmul.f32 v10, v5  }
0x5c: {  	v60 =	vld [tilespmem:$0x6500]  }
0x5d: {  	v5 =	vadd.f32 v14, v5;
	_ =	sdelay $0x1  }
0x5e: {  	v5 =	vmul.f32 v5, v59;
	_ =	sdelay $0x1  }
0x5f: {  	v5 =	vadd.f32 v5, v60;
	_ =	sdelay $0x1  }
0x60: {  	[tilespmem:s23+$0x6580] =	vst v5  }
0x61: {  	v5 =	vld [tilespmem:$0x6490]  }
0x62: {  	v6 =	vmul.f32 v10, v6  }
0x63: {  	v61 =	vld [tilespmem:$0x6510]  }
0x64: {  	v6 =	vadd.f32 v14, v6;
	_ =	sdelay $0x1  }
0x65: {  	v5 =	vmul.f32 v6, v5;
	_ =	sdelay $0x1  }
0x66: {  	v5 =	vadd.f32 v5, v61;
	_ =	sdelay $0x1  }
0x67: {  	[tilespmem:s23+$0x6590] =	vst v5  }
0x68: {  	v5 =	vld [tilespmem:$0x64A0]  }
0x69: {  	v6 =	vmul.f32 v10, v42  }
0x6a: {  	v62 =	vld [tilespmem:$0x6520]  }
0x6b: {  	v6 =	vadd.f32 v14, v6;
	_ =	sdelay $0x1  }
0x6c: {  	v5 =	vmul.f32 v6, v5;
	_ =	sdelay $0x1  }
0x6d: {  	v5 =	vadd.f32 v5, v62;
	_ =	sdelay $0x1  }
0x6e: {  	[tilespmem:s23+$0x65A0] =	vst v5  }
0x6f: {  	v5 =	vld [tilespmem:$0x64B0]  }
0x70: {  	v6 =	vmul.f32 v10, v11  }
0x71: {  	v63 =	vld [tilespmem:$0x6530]  }
0x72: {  	v6 =	vadd.f32 v14, v6;
	_ =	sdelay $0x1  }
0x73: {  	v5 =	vmul.f32 v6, v5;
	_ =	sdelay $0x1  }
0x74: {  	v5 =	vadd.f32 v5, v63;
	_ =	sdelay $0x1  }
0x75: {  	[tilespmem:s23+$0x65B0] =	vst v5  }
0x76: {  	v5 =	vld [tilespmem:$0x64C0]  }
0x77: {  	v6 =	vmul.f32 v10, v7  }
0x78: {  	v7 =	vld [tilespmem:$0x6540]  }
0x79: {  	v6 =	vadd.f32 v14, v6;
	_ =	sdelay $0x1  }
0x7a: {  	v5 =	vmul.f32 v6, v5;
	_ =	sdelay $0x1  }
0x7b: {  	v5 =	vadd.f32 v5, v7;
	_ =	sdelay $0x1  }
0x7c: {  	[tilespmem:s23+$0x65C0] =	vst v5  }
0x7d: {  	v5 =	vld [tilespmem:$0x64D0]  }
0x7e: {  	v6 =	vmul.f32 v10, v9  }
0x7f: {  	v7 =	vld [tilespmem:$0x6550]  }
0x80: {  	v6 =	vadd.f32 v14, v6;
	_ =	sdelay $0x1  }
0x81: {  	v5 =	vmul.f32 v6, v5;
	_ =	sdelay $0x1  }
0x82: {  	v5 =	vadd.f32 v5, v7;
	_ =	sdelay $0x1  }
0x83: {  	[tilespmem:s23+$0x65D0] =	vst v5  }
0x84: {  	v5 =	vld [tilespmem:$0x64E0]  }
0x85: {  	v6 =	vmul.f32 v10, v12  }
0x86: {  	v7 =	vld [tilespmem:$0x6560]  }
0x87: {  	v6 =	vadd.f32 v14, v6;
	_ =	sdelay $0x1  }
0x88: {  	v5 =	vmul.f32 v6, v5;
	_ =	sdelay $0x1  }
0x89: {  	v5 =	vadd.f32 v5, v7;
	_ =	sdelay $0x1  }
0x8a: {  	[tilespmem:s23+$0x65E0] =	vst v5  }
0x8b: {  	v5 =	vld [tilespmem:$0x64F0]  }
0x8c: {  	s24 =	sadd.s32 $0x1, s31;
	v6 =	vmul.f32 v10, v13  }
0x8d: {  	s31 =	smulhi.u32 $0x51EB851F, s24;
	v7 =	vld [tilespmem:$0x6570]  }
0x8e: {  	v6 =	vadd.f32 v14, v6  }
0x8f: {  	s25 =	sshrl.u32 s31, $0x6  }
0x90: {  	s28 =	smul.u32 $0x19000, s25;
	v5 =	vmul.f32 v5, v6  }
0x91: {  	s26 =	simm.s32 $0x400  }
0x92: {  	s25 =	simm.s32 $0x200;
	s29 =	ssub.s32 s19, s28;
	s28 =	simm.s32 $0x80;
	v5 =	vadd.f32 v7, v5  }
.LBB2_3:
0x93: {  	p0 =	sne.s32 s26, $0xFE00  }
0x94: {  	v6 =	vld [tilespmem:s28+$0x6580];
	s29 =	sadd.s32 s29, s25;
	s25 =	smov.u32 s26;
	s26 =	sadd.s32 $0x200, s26  }
0x95: {  	s29 =	sshra.s32 s29, $0x2;
	v7 =	vld [tilespmem:s28+$0x6590];
	[tilespmem:s23+$0x65F0] =	vst v5;
	s23 =	smov.u32 s28  }
0x96: {  	v5 =	vld.idx.msk [tilespmem:v4+s29+$0x0 ss:$0x1], $0xffff  }
0x97: {  	v8 =	vld.idx.msk [tilespmem:v4+s29+$0x10 ss:$0x1], $0xffff  }
0x98: {  	v9 =	vld.idx.msk [tilespmem:v4+s29+$0x20 ss:$0x1], $0xffff  }
0x99: {  	v10 =	vld [tilespmem:s23+$0x65A0]  }
0x9a: {  	v11 =	vld.idx.msk [tilespmem:v4+s29+$0x30 ss:$0x1], $0xffff  }
0x9b: {  	v12 =	vld [tilespmem:s23+$0x65B0]  }
0x9c: {  	v5 =	vadd.f32 v5, v6;
	v13 =	vld.idx.msk [tilespmem:v4+s29+$0x40 ss:$0x1], $0xffff  }
0x9d: {  	v6 =	vadd.f32 v8, v7;
	v14 =	vld [tilespmem:s23+$0x65C0]  }
0x9e: {  	v7 =	vadd.f32 v9, v10;
	v10 =	vld.idx.msk [tilespmem:v4+s29+$0x50 ss:$0x1], $0xffff;
	v9 =	vmul.f32 v5, v5  }
0x9f: {  	v16 =	vadd.f32 v6, v5;
	v17 =	vmul.f32 v6, v6;
	v15 =	vld [tilespmem:s23+$0x65D0]  }
0xa0: {  	v8 =	vadd.f32 v11, v12;
	v11 =	vld.idx.msk [tilespmem:v4+s29+$0x60 ss:$0x1], $0xffff;
	v12 =	vmul.f32 v7, v7  }
0xa1: {  	v17 =	vadd.f32 v17, v9;
	v16 =	vadd.f32 v7, v16;
	v18 =	vld [tilespmem:s23+$0x65E0]  }
0xa2: {  	v9 =	vadd.f32 v13, v14;
	v13 =	vld.idx.msk [tilespmem:v4+s29+$0x70 ss:$0x1], $0xffff;
	v14 =	vmul.f32 v8, v8  }
0xa3: {  	v12 =	vadd.f32 v12, v17;
	v16 =	vadd.f32 v8, v16;
	v19 =	vld [tilespmem:s23+$0x65F0]  }
0xa4: {  	v10 =	vadd.f32 v10, v15;
	v15 =	vmul.f32 v9, v9  }
0xa5: {  	v12 =	vadd.f32 v14, v12;
	v14 =	vadd.f32 v9, v16  }
0xa6: {  	v11 =	vadd.f32 v11, v18;
	v16 =	vmul.f32 v10, v10  }
0xa7: {  	v12 =	vadd.f32 v15, v12;
	v14 =	vadd.f32 v10, v14  }
0xa8: {  	v13 =	vadd.f32 v13, v19;
	v15 =	vmul.f32 v11, v11  }
0xa9: {  	v12 =	vadd.f32 v16, v12;
	v14 =	vadd.f32 v11, v14  }
0xaa: {  	v16 =	vmul.f32 v13, v13  }
0xab: {  	v12 =	vadd.f32 v15, v12;
	v14 =	vadd.f32 v13, v14;
	_ =	sdelay $0x1  }
0xac: {  	v12 =	vadd.f32 v16, v12;
	v15 =	vperm.xlane v14, v0;
	_ =	sdelay $0x1  }
0xad: {  	v14 =	vadd.f32 v14, v15;
	v15 =	vperm.xlane v12, v0;
	_ =	sdelay $0x1  }
0xae: {  	v16 =	vperm.xlane v14, v1;
	v12 =	vadd.f32 v15, v12;
	_ =	sdelay $0x1  }
0xaf: {  	v14 =	vadd.f32 v14, v16;
	v15 =	vperm.xlane v12, v1;
	_ =	sdelay $0x1  }
0xb0: {  	v16 =	vperm.xlane v14, v2;
	v12 =	vadd.f32 v15, v12;
	_ =	sdelay $0x1  }
0xb1: {  	v14 =	vadd.f32 v14, v16;
	v15 =	vperm.xlane v12, v2;
	_ =	sdelay $0x1  }
0xb2: {  	v16 =	vperm.xlane v14, v3;
	v12 =	vadd.f32 v15, v12;
	_ =	sdelay $0x1  }
0xb3: {  	v14 =	vadd.f32 v14, v16;
	v15 =	vperm.xlane v12, v3;
	_ =	sdelay $0x1  }
0xb4: {  	v14 =	vmul.f32 $7.812500000e-03, v14;
	v12 =	vadd.f32 v15, v12;
	_ =	sdelay $0x1  }
0xb5: {  	v12 =	vmul.f32 $7.812500000e-03, v12;
	v15 =	vmul.f32 v14, v14;
	_ =	sdelay $0x1  }
0xb6: {  	v12 =	vsub.f32 v12, v15;
	_ =	sdelay $0x1  }
0xb7: {  	v12 =	vadd.f32 $9.999999960e-13, v12;
	_ =	sdelay $0x1  }
0xb8: {  	v15 =	vshra.s32 v12, $0x1;
	v12 =	vmul.f32 $5.000000000e-01, v12  }
0xb9: {  	v15 =	vsub.s32 $0x5F3759DF, v15  }
0xba: {  	v16 =	vmul.f32 v15, v12;
	_ =	sdelay $0x1  }
0xbb: {  	v16 =	vmul.f32 v15, v16;
	_ =	sdelay $0x1  }
0xbc: {  	v16 =	vsub.f32 $1.500000000e+00, v16;
	_ =	sdelay $0x1  }
0xbd: {  	v15 =	vmul.f32 v15, v16;
	_ =	sdelay $0x1  }
0xbe: {  	v16 =	vmul.f32 v15, v12;
	_ =	sdelay $0x1  }
0xbf: {  	v16 =	vmul.f32 v16, v15;
	_ =	sdelay $0x1  }
0xc0: {  	v16 =	vsub.f32 $1.500000000e+00, v16;
	_ =	sdelay $0x1  }
0xc1: {  	v15 =	vmul.f32 v16, v15;
	_ =	sdelay $0x1  }
0xc2: {  	v12 =	vmul.f32 v15, v12;
	_ =	sdelay $0x1  }
0xc3: {  	v12 =	vmul.f32 v12, v15;
	_ =	sdelay $0x1  }
0xc4: {  	v12 =	vsub.f32 $1.500000000e+00, v12  }
0xc5: {  	v14 =	vsub.f32 $0.0e+00, v14  }
0xc6: {  	v12 =	vmul.f32 v12, v15;
	v15 =	vld [tilespmem:$0x6480];
	_ =	sdelay $0x1  }
0xc7: {  	v14 =	vmul.f32 v12, v14;
	v5 =	vmul.f32 v12, v5;
	v16 =	vld [tilespmem:$0x6500]  }
0xc8: {  	v6 =	vmul.f32 v12, v6;
	v7 =	vmul.f32 v12, v7  }
0xc9: {  	v8 =	vmul.f32 v12, v8;
	v9 =	vmul.f32 v12, v9;
	v5 =	vadd.f32 v14, v5  }
0xca: {  	v10 =	vmul.f32 v12, v10;
	v6 =	vadd.f32 v14, v6;
	v7 =	vadd.f32 v14, v7  }
0xcb: {  	v8 =	vadd.f32 v14, v8;
	v9 =	vadd.f32 v14, v9;
	v5 =	vmul.f32 v5, v15  }
0xcc: {  	v11 =	vmul.f32 v12, v11;
	v12 =	vmul.f32 v12, v13;
	v10 =	vadd.f32 v14, v10  }
0xcd: {  	v5 =	vadd.f32 v5, v16  }
0xce: {  	v11 =	vadd.f32 v14, v11;
	v12 =	vadd.f32 v14, v12  }
0xcf: {  	[tilespmem:s23+$0x6580] =	vst v5  }
0xd0: {  	v5 =	vld [tilespmem:$0x6490]  }
0xd1: {  	v13 =	vld [tilespmem:$0x6510];
	_ =	sdelay $0x3  }
0xd2: {  	v5 =	vmul.f32 v6, v5;
	_ =	sdelay $0x1  }
0xd3: {  	v5 =	vadd.f32 v5, v13;
	_ =	sdelay $0x1  }
0xd4: {  	[tilespmem:s23+$0x6590] =	vst v5  }
0xd5: {  	v5 =	vld [tilespmem:$0x64A0]  }
0xd6: {  	v6 =	vld [tilespmem:$0x6520];
	_ =	sdelay $0x3  }
0xd7: {  	v5 =	vmul.f32 v7, v5;
	_ =	sdelay $0x1  }
0xd8: {  	v5 =	vadd.f32 v5, v6;
	_ =	sdelay $0x1  }
0xd9: {  	[tilespmem:s23+$0x65A0] =	vst v5  }
0xda: {  	v5 =	vld [tilespmem:$0x64B0]  }
0xdb: {  	v6 =	vld [tilespmem:$0x6530];
	_ =	sdelay $0x3  }
0xdc: {  	v5 =	vmul.f32 v8, v5;
	_ =	sdelay $0x1  }
0xdd: {  	v5 =	vadd.f32 v5, v6;
	_ =	sdelay $0x1  }
0xde: {  	[tilespmem:s23+$0x65B0] =	vst v5  }
0xdf: {  	v5 =	vld [tilespmem:$0x64C0]  }
0xe0: {  	v6 =	vld [tilespmem:$0x6540];
	_ =	sdelay $0x3  }
0xe1: {  	v5 =	vmul.f32 v9, v5;
	_ =	sdelay $0x1  }
0xe2: {  	v5 =	vadd.f32 v5, v6;
	_ =	sdelay $0x1  }
0xe3: {  	[tilespmem:s23+$0x65C0] =	vst v5  }
0xe4: {  	v5 =	vld [tilespmem:$0x64D0]  }
0xe5: {  	v6 =	vld [tilespmem:$0x6550];
	_ =	sdelay $0x3  }
0xe6: {  	v5 =	vmul.f32 v10, v5;
	_ =	sdelay $0x1  }
0xe7: {  	v5 =	vadd.f32 v5, v6;
	_ =	sdelay $0x1  }
0xe8: {  	[tilespmem:s23+$0x65D0] =	vst v5  }
0xe9: {  	v5 =	vld [tilespmem:$0x64E0]  }
0xea: {  	v6 =	vld [tilespmem:$0x6560];
	_ =	sdelay $0x3  }
0xeb: {  	v5 =	vmul.f32 v11, v5;
	_ =	sdelay $0x1  }
0xec: {  	v5 =	vadd.f32 v5, v6;
	_ =	sdelay $0x1  }
0xed: {  	[tilespmem:s23+$0x65E0] =	vst v5  }
0xee: {  	v5 =	vld [tilespmem:$0x64F0]  }
0xef: {  	s24 =	sadd.s32 $0x1, s24;
	v6 =	vld [tilespmem:$0x6570]  }
0xf0: {  	s28 =	smulhi.u32 $0x51EB851F, s24  }
.Ltmp0:
0xf1: {  	(pc) =	sbr.rel @p0 .LBB2_3-.Ltmp0, $3  }
0xf2: {  	s28 =	sshrl.u32 s28, $0x6  }
0xf3: {  	s28 =	smul.u32 $0x19000, s28;
	v5 =	vmul.f32 v5, v12;
	_ =	sdelay $0x1  }
0xf4: {  	s29 =	ssub.s32 s19, s28;
	s28 =	sshra.s32 s25, $0x2;
	v5 =	vadd.f32 v6, v5  }
0xf5: {  	_ =	sdelay $0x1  }
0xf6: {  	v6 =	vld [tilespmem:s28+$0x6580];
	s24 =	sadd.s32 s29, s25  }
0xf7: {  	v7 =	vld [tilespmem:s28+$0x6590];
	s24 =	sshra.s32 s24, $0x2;
	[tilespmem:s23+$0x65F0] =	vst v5  }
0xf8: {  	v5 =	vld.idx.msk [tilespmem:v4+s24+$0x0 ss:$0x1], $0xffff  }
0xf9: {  	v8 =	vld.idx.msk [tilespmem:v4+s24+$0x10 ss:$0x1], $0xffff  }
0xfa: {  	v9 =	vld.idx.msk [tilespmem:v4+s24+$0x20 ss:$0x1], $0xffff  }
0xfb: {  	v10 =	vld [tilespmem:s28+$0x65A0]  }
0xfc: {  	v11 =	vld.idx.msk [tilespmem:v4+s24+$0x30 ss:$0x1], $0xffff  }
0xfd: {  	v12 =	vld [tilespmem:s28+$0x65B0]  }
0xfe: {  	v13 =	vld.idx.msk [tilespmem:v4+s24+$0x40 ss:$0x1], $0xffff  }
0xff: {  	v32 =	vld [tilespmem:s28+$0x65C0];
	v5 =	vadd.f32 v5, v6;
	v31 =	vadd.f32 v8, v7  }
0x100: {  	v34 =	vld.idx.msk [tilespmem:v4+s24+$0x50 ss:$0x1], $0xffff;
	v33 =	vadd.f32 v9, v10  }
0x101: {  	v14 =	vld [tilespmem:s28+$0x65D0];
	v35 =	vmul.f32 v5, v5;
	v15 =	vadd.f32 v31, v5;
	v16 =	vmul.f32 v31, v31  }
0x102: {  	v36 =	vld.idx.msk [tilespmem:v4+s24+$0x60 ss:$0x1], $0xffff;
	v11 =	vadd.f32 v11, v12  }
0x103: {  	v18 =	vld [tilespmem:s28+$0x65E0];
	v17 =	vmul.f32 v33, v33;
	v10 =	vadd.f32 v16, v35;
	v15 =	vadd.f32 v33, v15  }
0x104: {  	v4 =	vld.idx.msk [tilespmem:v4+s24+$0x70 ss:$0x1], $0xffff;
	v7 =	vadd.f32 v13, v32  }
0x105: {  	v38 =	vld [tilespmem:s28+$0x65F0];
	v37 =	vmul.f32 v11, v11;
	v10 =	vadd.f32 v17, v10;
	v15 =	vadd.f32 v11, v15  }
0x106: {  	v9 =	vadd.f32 v34, v14  }
0x107: {  	v39 =	vmul.f32 v7, v7;
	v10 =	vadd.f32 v37, v10;
	v40 =	vadd.f32 v7, v15  }
0x108: {  	v12 =	vadd.f32 v36, v18  }
0x109: {  	v41 =	vmul.f32 v9, v9;
	v10 =	vadd.f32 v39, v10;
	v13 =	vadd.f32 v9, v40  }
0x10a: {  	v4 =	vadd.f32 v4, v38  }
0x10b: {  	v42 =	vmul.f32 v12, v12;
	v10 =	vadd.f32 v41, v10;
	v13 =	vadd.f32 v12, v13;
	_ =	sdelay $0x1  }
0x10c: {  	v43 =	vmul.f32 v4, v4;
	v10 =	vadd.f32 v42, v10;
	v13 =	vadd.f32 v4, v13;
	_ =	sdelay $0x1  }
0x10d: {  	v10 =	vadd.f32 v43, v10;
	v44 =	vperm.xlane v13, v0;
	_ =	sdelay $0x1  }
0x10e: {  	v13 =	vadd.f32 v13, v44;
	v45 =	vperm.xlane v10, v0;
	_ =	sdelay $0x1  }
0x10f: {  	v46 =	vperm.xlane v13, v1;
	v10 =	vadd.f32 v45, v10;
	_ =	sdelay $0x1  }
0x110: {  	v13 =	vadd.f32 v13, v46;
	v14 =	vperm.xlane v10, v1;
	_ =	sdelay $0x1  }
0x111: {  	v15 =	vperm.xlane v13, v2;
	v10 =	vadd.f32 v14, v10;
	_ =	sdelay $0x1  }
0x112: {  	v13 =	vadd.f32 v13, v15;
	v14 =	vperm.xlane v10, v2;
	_ =	sdelay $0x1  }
0x113: {  	v15 =	vperm.xlane v13, v3;
	v10 =	vadd.f32 v14, v10;
	_ =	sdelay $0x1  }
0x114: {  	v13 =	vadd.f32 v13, v15;
	v14 =	vperm.xlane v10, v3;
	_ =	sdelay $0x1  }
0x115: {  	v13 =	vmul.f32 $7.812500000e-03, v13;
	v10 =	vadd.f32 v14, v10;
	_ =	sdelay $0x1  }
0x116: {  	v10 =	vmul.f32 $7.812500000e-03, v10;
	v47 =	vmul.f32 v13, v13;
	_ =	sdelay $0x1  }
0x117: {  	v10 =	vsub.f32 v10, v47;
	_ =	sdelay $0x1  }
0x118: {  	v10 =	vadd.f32 $9.999999960e-13, v10;
	_ =	sdelay $0x1  }
0x119: {  	v48 =	vshra.s32 v10, $0x1;
	v10 =	vmul.f32 $5.000000000e-01, v10  }
0x11a: {  	v14 =	vsub.s32 $0x5F3759DF, v48  }
0x11b: {  	v49 =	vmul.f32 v14, v10;
	_ =	sdelay $0x1  }
0x11c: {  	v15 =	vmul.f32 v14, v49;
	_ =	sdelay $0x1  }
0x11d: {  	v15 =	vsub.f32 $1.500000000e+00, v15;
	_ =	sdelay $0x1  }
0x11e: {  	v14 =	vmul.f32 v14, v15;
	_ =	sdelay $0x1  }
0x11f: {  	v15 =	vmul.f32 v14, v10;
	_ =	sdelay $0x1  }
0x120: {  	v15 =	vmul.f32 v15, v14;
	_ =	sdelay $0x1  }
0x121: {  	v15 =	vsub.f32 $1.500000000e+00, v15;
	_ =	sdelay $0x1  }
0x122: {  	v14 =	vmul.f32 v15, v14;
	_ =	sdelay $0x1  }
0x123: {  	v10 =	vmul.f32 v14, v10;
	_ =	sdelay $0x1  }
0x124: {  	v10 =	vmul.f32 v10, v14;
	_ =	sdelay $0x1  }
0x125: {  	v10 =	vsub.f32 $1.500000000e+00, v10;
	_ =	sdelay $0x1  }
0x126: {  	v13 =	vsub.f32 $0.0e+00, v13;
	v10 =	vmul.f32 v10, v14  }
0x127: {  	v50 =	vld [tilespmem:$0x6480]  }
0x128: {  	v13 =	vmul.f32 v10, v13;
	v5 =	vmul.f32 v10, v5  }
0x129: {  	v51 =	vld [tilespmem:$0x6500]  }
0x12a: {  	v5 =	vadd.f32 v13, v5;
	_ =	sdelay $0x1  }
0x12b: {  	v5 =	vmul.f32 v5, v50;
	_ =	sdelay $0x1  }
0x12c: {  	v5 =	vadd.f32 v5, v51;
	_ =	sdelay $0x1  }
0x12d: {  	[tilespmem:s28+$0x6580] =	vst v5  }
0x12e: {  	v5 =	vld [tilespmem:$0x6490]  }
0x12f: {  	v6 =	vmul.f32 v10, v31  }
0x130: {  	v52 =	vld [tilespmem:$0x6510]  }
0x131: {  	v6 =	vadd.f32 v13, v6;
	_ =	sdelay $0x1  }
0x132: {  	v5 =	vmul.f32 v6, v5;
	_ =	sdelay $0x1  }
0x133: {  	v5 =	vadd.f32 v5, v52;
	_ =	sdelay $0x1  }
0x134: {  	[tilespmem:s28+$0x6590] =	vst v5  }
0x135: {  	v5 =	vld [tilespmem:$0x64A0]  }
0x136: {  	v53 =	vmul.f32 v10, v33  }
0x137: {  	v54 =	vld [tilespmem:$0x6520]  }
0x138: {  	v6 =	vadd.f32 v13, v53;
	_ =	sdelay $0x1  }
0x139: {  	v5 =	vmul.f32 v6, v5;
	_ =	sdelay $0x1  }
0x13a: {  	v5 =	vadd.f32 v5, v54;
	_ =	sdelay $0x1  }
0x13b: {  	[tilespmem:s28+$0x65A0] =	vst v5  }
0x13c: {  	v5 =	vld [tilespmem:$0x64B0]  }
0x13d: {  	v55 =	vmul.f32 v10, v11  }
0x13e: {  	v56 =	vld [tilespmem:$0x6530]  }
0x13f: {  	v6 =	vadd.f32 v13, v55;
	_ =	sdelay $0x1  }
0x140: {  	v5 =	vmul.f32 v6, v5;
	_ =	sdelay $0x1  }
0x141: {  	v5 =	vadd.f32 v5, v56;
	_ =	sdelay $0x1  }
0x142: {  	[tilespmem:s28+$0x65B0] =	vst v5  }
0x143: {  	v5 =	vld [tilespmem:$0x64C0]  }
0x144: {  	v57 =	vmul.f32 v10, v7  }
0x145: {  	v58 =	vld [tilespmem:$0x6540]  }
0x146: {  	v6 =	vadd.f32 v13, v57;
	_ =	sdelay $0x1  }
0x147: {  	v5 =	vmul.f32 v6, v5;
	_ =	sdelay $0x1  }
0x148: {  	v5 =	vadd.f32 v5, v58;
	_ =	sdelay $0x1  }
0x149: {  	[tilespmem:s28+$0x65C0] =	vst v5  }
0x14a: {  	v5 =	vld [tilespmem:$0x64D0]  }
0x14b: {  	v59 =	vmul.f32 v10, v9  }
0x14c: {  	v60 =	vld [tilespmem:$0x6550]  }
0x14d: {  	v6 =	vadd.f32 v13, v59;
	_ =	sdelay $0x1  }
0x14e: {  	v5 =	vmul.f32 v6, v5;
	_ =	sdelay $0x1  }
0x14f: {  	v5 =	vadd.f32 v5, v60;
	_ =	sdelay $0x1  }
0x150: {  	[tilespmem:s28+$0x65D0] =	vst v5  }
0x151: {  	v5 =	vld [tilespmem:$0x64E0]  }
0x152: {  	v61 =	vmul.f32 v10, v12  }
0x153: {  	v62 =	vld [tilespmem:$0x6560]  }
0x154: {  	v6 =	vadd.f32 v13, v61;
	_ =	sdelay $0x1  }
0x155: {  	v5 =	vmul.f32 v6, v5;
	_ =	sdelay $0x1  }
0x156: {  	v5 =	vadd.f32 v5, v62;
	_ =	sdelay $0x1  }
0x157: {  	[tilespmem:s28+$0x65E0] =	vst v5  }
0x158: {  	v5 =	vld [tilespmem:$0x64F0]  }
0x159: {  	v4 =	vmul.f32 v10, v4  }
0x15a: {  	v63 =	vld [tilespmem:$0x6570]  }
0x15b: {  	v4 =	vadd.f32 v13, v4;
	_ =	sdelay $0x1  }
0x15c: {  	v4 =	vmul.f32 v5, v4;
	_ =	sdelay $0x1  }
0x15d: {  	s22 =	sadd.s32 s9, s22;
	s21 =	sadd.s32 $0x1, s21;
	v4 =	vadd.f32 v63, v4  }
0x15e: {  	s22 =	sshll.u32 s22, $0x4;
	p0 =	sne.s32 s21, $0x32  }
.Ltmp1:
0x15f: {  	s22 =	sadd.s32 s5, s22;
	[tilespmem:s28+$0x65F0] =	vst v4;
	(pc) =	sbr.rel @p0 .LBB2_2-.Ltmp1, $4  }
0x160: {  	[hbm4b:s22+s7] =	stream.linear.scatter [tilespmem:s16], [sflag:$0x2], $0x4000, $0x38;
	[tilespmem:$0xA580] =	vst v63  }
0x161: {  	_ =	swait.ge [sflag:s13], $0x4000  }
0x162: {  	[sflag:s13] =	ssyncset.done $0x0  }
0x163: {  	s20 =	sadd.s32 $0x80, s20;
	s19 =	sadd.s32 $0x10000, s19;
	[sflag:s13] =	ssyncadd.s32 $0xFFFFC000  }
0x164: {  	s18 =	sadd.s32 $0x1, s18  }
0x165: {  	p0 =	sne.s32 s18, s11  }
.Ltmp2:
0x166: {  	_ = 	snop;
	(pc) =	sbr.rel @p0 .LBB2_1-.Ltmp2, $1  }
0x167: {  	_ =	sdelay $0x3  }
0x168: {  	_ =	sfence.sel $0x180000  }
0x169: {  	[bflag:$0x0] =	sbarrier.arrive $0xFFFF  }
0x16a: {  	p0 =	sne.s32 s6, $0x0;
	_ =	strace $0x90000047  }
0x16b: {  	s0 =	sadd.s32 @!p0 $0x100000, s4;
	[bflag:$0x2] =	sbarrier.arrive $0xFFFF  }
0x16c: {  	[sflag:s0] =	ssyncadd.tile.s32 @!p0 $0x1;
	_ =	shalt  }
.Lfunc_end2:
_tile_overlayer_lowered:
.L_overlay_start_2:
0x16d: {  	(tag) =	ssettag $0x2  }
0x16e: {  	s0 =	rddreg [dreg:$0x0];
	s2 =	stileid.u32  }
0x16f: {  	s1 =	rddreg [dreg:$0x1];
	p0 =	sne.s32 s2, $0x0  }
0x170: {  	s3 =	rddreg [dreg:$0x2];
	[bflag:$0x3] =	sbarrier.arrive $0xFFFF;
	s2 =	simm.s32 @!p0 $0x1C02  }
0x171: {  	[timem:s3], [sflag:s2] =	dma.local @!p0 [hbm:s0], s1  }
0x172: {  	s0 =	simm.s32 @!p0 $0x2  }
0x173: {  	_ =	swait.ge @!p0 [sflag:s0], s1  }
0x174: {  	s1 =	ssub.s32 @!p0 $0x0, s1;
	[sflag:s0] =	ssyncset.done @!p0 $0x0  }
0x175: {  	[sflag:s0] =	ssyncadd.s32 @!p0 s1  }
0x176: {  	[bflag:$0x3] =	sbarrier.arrive $0xFFFF  }
0x177: {  	_ =	shalt  }

</sc_bundles>
